<compile_context>
chip_gen: v7x
topology: tpu7x:2x2x1
jax: 0.10.2.dev20260603
libtpu: 0.0.44.dev20260713+nightly
codegen_flags: <defaults>
</compile_context>

<pallas_src>
import functools

import jax
import jax.numpy as jnp
from jax import lax
from jax.experimental import pallas as pl
from jax.experimental.pallas import tpu as pltpu
from jax.experimental.pallas import tpu_sc as plsc

_NB_KNOTS = 20
_EPS = 1e-06
_NC = 2
_NS = 16
_NW = _NC * _NS
_LANES = 16
_CHUNK = 16384


def _spline_body(z_hbm, th_hbm, out_hbm, th_v, ytab, inctab,
                 zb0, zb1, ob0, ob1, si0, si1, so0, so1):
    wid = lax.axis_index("s") * _NC + lax.axis_index("c")
    n = out_hbm.shape[0]
    per_w = n // _NW
    nchunk = per_w // _CHUNK

    scale = jnp.float32(_NB_KNOTS - 1)
    base = wid * per_w
    zb = (zb0, zb1)
    ob = (ob0, ob1)
    si = (si0, si1)
    so = (so0, so1)

    def in_copy(c, b):
        return pltpu.make_async_copy(
            z_hbm.at[pl.ds(base + c * _CHUNK, _CHUNK)], zb[b], si[b])

    def out_copy(c, b):
        return pltpu.make_async_copy(
            ob[b], out_hbm.at[pl.ds(base + c * _CHUNK, _CHUNK)], so[b])

    in_copy(0, 0).start()
    in_copy(1, 1).start()

    th_v[pl.ds(_LANES, _LANES)] = jnp.zeros((_LANES,), jnp.float32)
    pltpu.sync_copy(th_hbm, th_v.at[pl.ds(0, _NB_KNOTS)])
    lane = lax.iota(jnp.int32, _LANES)

    def _cumsum16(v):
        for k in (1, 2, 4, 8):
            g = v.at[jnp.maximum(lane - k, 0)].get(mode="promise_in_bounds")
            v = v + jnp.where(lane >= k, g, jnp.float32(0.0))
        return v

    v0 = th_v[pl.ds(0, _LANES)]
    v1 = th_v[pl.ds(_LANES, _LANES)]
    inc0 = jnp.where(lane == 0, v0, jnp.exp(v0) + _EPS)
    inc1 = jnp.exp(v1) + _EPS
    y0 = _cumsum16(inc0)
    total0 = y0.at[jnp.full((_LANES,), _LANES - 1, jnp.int32)].get(
        mode="promise_in_bounds")
    y1 = total0 + _cumsum16(inc1)
    ytab[pl.ds(0, _LANES)] = y0
    ytab[pl.ds(_LANES, _LANES)] = y1
    inctab[pl.ds(0, _LANES)] = inc0
    inctab[pl.ds(_LANES, _LANES)] = inc1

    def compute(b):
        zbuf = zb[b]
        obuf = ob[b]

        @plsc.parallel_loop(0, _CHUNK // _LANES, unroll=8)
        def _(j):
            x = zbuf[pl.ds(j * _LANES, _LANES)] * scale
            ii = jnp.minimum(jnp.maximum(x.astype(jnp.int32), 0), _NB_KNOTS - 2)
            t = x - ii.astype(jnp.float32)
            yl = plsc.load_gather(ytab, [ii])
            dd = plsc.load_gather(inctab, [ii + 1])
            obuf[pl.ds(j * _LANES, _LANES)] = yl + t * dd

    def pair_body(p, carry):
        c0 = 2 * p
        in_copy(c0, 0).wait()

        @pl.when(p > 0)
        def _():
            out_copy(c0 - 2, 0).wait()

        compute(0)
        out_copy(c0, 0).start()

        @pl.when(p + 1 < nchunk // 2)
        def _():
            in_copy(c0 + 2, 0).start()

        in_copy(c0 + 1, 1).wait()

        @pl.when(p > 0)
        def _():
            out_copy(c0 - 1, 1).wait()

        compute(1)
        out_copy(c0 + 1, 1).start()

        @pl.when(p + 1 < nchunk // 2)
        def _():
            in_copy(c0 + 3, 1).start()

        return carry

    lax.fori_loop(0, nchunk // 2, pair_body, 0)
    out_copy(nchunk - 2, 0).wait()
    out_copy(nchunk - 1, 1).wait()


def kernel(z, theta):
    zf = z.reshape(-1)
    n = zf.shape[0]
    assert n % (_NW * 2 * _CHUNK) == 0

    mesh = plsc.VectorSubcoreMesh(
        core_axis_name="c", subcore_axis_name="s",
        num_cores=_NC, num_subcores=_NS,
    )
    fn = functools.partial(
        pl.kernel,
        out_type=jax.ShapeDtypeStruct((n,), jnp.float32),
        mesh=mesh,
        compiler_params=pltpu.CompilerParams(needs_layout_passes=False),
        scratch_types=[
            pltpu.VMEM((2 * _LANES,), jnp.float32),
            pltpu.VMEM((2 * _LANES,), jnp.float32),
            pltpu.VMEM((2 * _LANES,), jnp.float32),
            pltpu.VMEM((_CHUNK,), jnp.float32),
            pltpu.VMEM((_CHUNK,), jnp.float32),
            pltpu.VMEM((_CHUNK,), jnp.float32),
            pltpu.VMEM((_CHUNK,), jnp.float32),
            pltpu.SemaphoreType.DMA,
            pltpu.SemaphoreType.DMA,
            pltpu.SemaphoreType.DMA,
            pltpu.SemaphoreType.DMA,
        ],
    )(_spline_body)
    out = fn(zf, theta)
    return out.reshape(z.shape)

# --- scband reference (transcript-rebuilt; emitter-appended) ---
"""Pipeline reference for scband-spline-13443247637165 (READ-ONLY COPY).

The authoritative reference and input builder live on the scoring server;
editing this copy changes nothing except your own understanding.
"""

import jax, jax.numpy as jnp
import numpy as np

NB_KNOTS = 20
X_MIN = 0.0
X_MAX = 1.0
EPS = 1e-06
N = 33554432


def setup_inputs(seed: int = 0) -> dict:
    key = jax.random.key(seed)
    kz = jax.random.fold_in(key, 0)
    z = jax.random.uniform(kz, (N,), dtype=jnp.float32)
    # Parameter theta initialized exactly as in the torch module:
    # theta = y2theta(linspace(x_min, x_max, nb_knots))
    y0 = jnp.linspace(X_MIN, X_MAX, NB_KNOTS).astype(jnp.float32)
    theta = jnp.concatenate([y0[:1], jnp.log(y0[1:] - y0[:-1] - EPS)], axis=0)
    return {"z": z, "theta": theta}


def _theta2y(theta):
    # strictly increasing parameterization: cumsum(cat(theta0, exp(theta1)+eps))
    theta0 = theta[:1]
    theta1 = theta[1:]
    return jnp.cumsum(jnp.concatenate([theta0, jnp.exp(theta1) + EPS], axis=0), axis=0)


def reference(z, theta):
    z_input_shape = z.shape
    zf = z.reshape(-1)
    y = _theta2y(theta)
    z_norm = (NB_KNOTS - 1) * (zf - X_MIN) / (X_MAX - X_MIN)
    # bin index computed under no_grad in torch -> stop_gradient here
    i = jax.lax.stop_gradient(
        jnp.clip(jnp.floor(z_norm), 0, NB_KNOTS - 2).astype(jnp.int32)
    )
    y_left = jnp.take(y, i, axis=0)
    y_right = jnp.take(y, i + 1, axis=0)
    t = z_norm - i.astype(z_norm.dtype)
    out = y_left * (1.0 - t) + y_right * t
    return out.reshape(z_input_shape)

if __name__ == "__main__":
    import jax
    _d = setup_inputs()
    print(jax.jit(kernel)(*tuple(_d.values())))

</pallas_src>

<mosaic_0001>
#map = affine_map<(d0, d1) -> (0)>
module attributes {stable_mosaic.version = 14 : i64} {
  func.func @_spline_body(%arg0: i32, %arg1: i32, %arg2: memref<33554432xf32, #tpu.memory_space<hbm>>, %arg3: memref<20xf32, #tpu.memory_space<hbm>>, %arg4: memref<33554432xf32, #tpu.memory_space<hbm>>, %arg5: memref<32xf32, #tpu.memory_space<vmem>>, %arg6: memref<32xf32, #tpu.memory_space<vmem>>, %arg7: memref<32xf32, #tpu.memory_space<vmem>>, %arg8: memref<16384xf32, #tpu.memory_space<vmem>>, %arg9: memref<16384xf32, #tpu.memory_space<vmem>>, %arg10: memref<16384xf32, #tpu.memory_space<vmem>>, %arg11: memref<16384xf32, #tpu.memory_space<vmem>>, %arg12: memref<!tpu.dma_semaphore, #tpu.memory_space<semaphore_mem>>, %arg13: memref<!tpu.dma_semaphore, #tpu.memory_space<semaphore_mem>>, %arg14: memref<!tpu.dma_semaphore, #tpu.memory_space<semaphore_mem>>, %arg15: memref<!tpu.dma_semaphore, #tpu.memory_space<semaphore_mem>>) attributes {dimension_semantics = [#tpu.dimension_semantics<core_parallel>, #tpu.dimension_semantics<subcore_parallel>], iteration_bounds = array<i64: 2, 16>, scalar_prefetch = 0 : i64, scratch_operands = 11 : i64, tpu.core_type = #tpu.core_type<sc_vector_subcore>, window_params = [{transform_indices = #map}, {transform_indices = #map}, {transform_indices = #map}]} {
    %mul3A = arith.constant 2 : i32
    %mul3A_0 = arith.muli %arg1, %mul3A : i32
    %add3A = arith.addi %mul3A_0, %arg0 : i32
    %mul3A_1 = arith.constant 1048576 : i32
    %mul3A_2 = arith.muli %add3A, %mul3A_1 : i32
    %add3A_3 = arith.constant 0 : i32
    %add3A_4 = arith.addi %mul3A_2, %add3A_3 : i32
    %dma_start3A = tpu.memref_slice %arg2[%add3A_4] : memref<33554432xf32, #tpu.memory_space<hbm>> -> memref<16384xf32, #tpu.memory_space<hbm>>
    %dma_start3A_5 = tpu.memref_slice %arg2[%add3A_4] : memref<33554432xf32, #tpu.memory_space<hbm>> -> memref<16384xf32, #tpu.memory_space<hbm>>
    tpu.enqueue_dma source(%dma_start3A_5 : memref<16384xf32, #tpu.memory_space<hbm>>) target(%arg8 : memref<16384xf32, #tpu.memory_space<vmem>>) target_semaphore(%arg12 : memref<!tpu.dma_semaphore, #tpu.memory_space<semaphore_mem>>)
    %add3A_6 = arith.constant 16384 : i32
    %add3A_7 = arith.addi %mul3A_2, %add3A_6 : i32
    %dma_start3A_8 = tpu.memref_slice %arg2[%add3A_7] : memref<33554432xf32, #tpu.memory_space<hbm>> -> memref<16384xf32, #tpu.memory_space<hbm>>
    %dma_start3A_9 = tpu.memref_slice %arg2[%add3A_7] : memref<33554432xf32, #tpu.memory_space<hbm>> -> memref<16384xf32, #tpu.memory_space<hbm>>
    tpu.enqueue_dma source(%dma_start3A_9 : memref<16384xf32, #tpu.memory_space<hbm>>) target(%arg9 : memref<16384xf32, #tpu.memory_space<vmem>>) target_semaphore(%arg13 : memref<!tpu.dma_semaphore, #tpu.memory_space<semaphore_mem>>)
    %broadcast_in_dim3A = arith.constant 0.000000e+00 : f32
    %broadcast_in_dim3A_10 = vector.broadcast %broadcast_in_dim3A : f32 to vector<16xf32>
    %swap3A = arith.constant 16 : index
    %swap3A_11 = tpu.vector_load %arg5[%swap3A] {strides = array<i32>} : memref<32xf32, #tpu.memory_space<vmem>>, vector<16xf32>,
    tpu.vector_store %arg5[%swap3A], %broadcast_in_dim3A_10 {strides = array<i32>} : memref<32xf32, #tpu.memory_space<vmem>>, vector<16xf32>,
    "tpu.region"() ({
      %run_scoped3A = tpu.sem_alloc : memref<!tpu.dma_semaphore, #tpu.memory_space<semaphore_mem>>
      %dma_start3A_236 = arith.constant 0 : i32
      %dma_start3A_237 = tpu.memref_slice %arg5[%dma_start3A_236] : memref<32xf32, #tpu.memory_space<vmem>> -> memref<20xf32, #tpu.memory_space<vmem>>
      %dma_start3A_238 = arith.constant 0 : i32
      %dma_start3A_239 = tpu.memref_slice %arg5[%dma_start3A_238] : memref<32xf32, #tpu.memory_space<vmem>> -> memref<20xf32, #tpu.memory_space<vmem>>
      tpu.enqueue_dma source(%arg3 : memref<20xf32, #tpu.memory_space<hbm>>) target(%dma_start3A_239 : memref<20xf32, #tpu.memory_space<vmem>>) target_semaphore(%run_scoped3A : memref<!tpu.dma_semaphore, #tpu.memory_space<semaphore_mem>>)
      %dma_wait3A_240 = arith.constant 0 : i32
      %dma_wait3A_241 = tpu.memref_slice %arg5[%dma_wait3A_240] : memref<32xf32, #tpu.memory_space<vmem>> -> memref<20xf32, #tpu.memory_space<vmem>>
      %dma_wait3A_242 = arith.constant 0 : i32
      %dma_wait3A_243 = tpu.memref_slice %arg5[%dma_wait3A_242] : memref<32xf32, #tpu.memory_space<vmem>> -> memref<20xf32, #tpu.memory_space<vmem>>
      tpu.wait_dma2 semaphore(%run_scoped3A : memref<!tpu.dma_semaphore, #tpu.memory_space<semaphore_mem>>) src(%arg3 : memref<20xf32, #tpu.memory_space<hbm>>) dst(%dma_wait3A_243 : memref<20xf32, #tpu.memory_space<vmem>>)
      tpu.yield
    }) : () -> ()
    %iota3A = tpu.iota {dimensions = array<i32: 0>} : vector<16xi32>
    %get3A = arith.constant 0 : index
    %get3A_12 = tpu.vector_load %arg5[%get3A] {strides = array<i32>} : memref<32xf32, #tpu.memory_space<vmem>>, vector<16xf32>,
    %get3A_13 = arith.constant 16 : index
    %get3A_14 = tpu.vector_load %arg5[%get3A_13] {strides = array<i32>} : memref<32xf32, #tpu.memory_space<vmem>>, vector<16xf32>,
    %eq3A = arith.constant 0 : i32
    %eq3A_15 = vector.broadcast %eq3A : i32 to vector<16xi32>
    %eq3A_16 = arith.cmpi eq, %iota3A, %eq3A_15 : vector<16xi32>
    %exp3A = math.exp %get3A_12 : vector<16xf32>
    %add3A_17 = arith.constant 9.99999997E-7 : f32
    %add3A_18 = vector.broadcast %add3A_17 : f32 to vector<16xf32>
    %add3A_19 = arith.addf %exp3A, %add3A_18 : vector<16xf32>
    %select_n3A = arith.select %eq3A_16, %get3A_12, %add3A_19 : vector<16xi1>, vector<16xf32>
    %exp3A_20 = math.exp %get3A_14 : vector<16xf32>
    %add3A_21 = arith.constant 9.99999997E-7 : f32
    %add3A_22 = vector.broadcast %add3A_21 : f32 to vector<16xf32>
    %add3A_23 = arith.addf %exp3A_20, %add3A_22 : vector<16xf32>
    %sub3A = arith.constant 1 : i32
    %sub3A_24 = vector.broadcast %sub3A : i32 to vector<16xi32>
    %sub3A_25 = arith.subi %iota3A, %sub3A_24 : vector<16xi32>
    %max3A = arith.constant 0 : i32
    %max3A_26 = vector.broadcast %max3A : i32 to vector<16xi32>
    %max3A_27 = arith.maxsi %sub3A_25, %max3A_26 : vector<16xi32>
    %lt3A = arith.constant 0 : i32
    %lt3A_28 = vector.broadcast %lt3A : i32 to vector<16xi32>
    %lt3A_29 = arith.cmpi slt, %max3A_27, %lt3A_28 : vector<16xi32>
    %add3A_30 = arith.constant 16 : i32
    %add3A_31 = vector.broadcast %add3A_30 : i32 to vector<16xi32>
    %add3A_32 = arith.addi %max3A_27, %add3A_31 : vector<16xi32>
    %select_n3A_33 = arith.select %lt3A_29, %add3A_32, %max3A_27 : vector<16xi1>, vector<16xi32>
    %broadcast_in_dim3A_34 = vector.shape_cast %select_n3A_33 : vector<16xi32> to vector<16x1xi32>
    %gather3A = vector.shape_cast %broadcast_in_dim3A_34 : vector<16x1xi32> to vector<16xi32>
    %gather3A_35 = tpu.dynamic_gather %select_n3A[%gather3A] in [0] : vector<16xf32>, vector<16xi32> -> vector<16xf32>
    %ge3A = arith.constant 1 : i32
    %ge3A_36 = vector.broadcast %ge3A : i32 to vector<16xi32>
    %ge3A_37 = arith.cmpi sge, %iota3A, %ge3A_36 : vector<16xi32>
    %jit3A = arith.constant 0.000000e+00 : f32
    %broadcast_in_dim3A_38 = vector.broadcast %jit3A : f32 to vector<16xf32>
    %select_n3A_39 = arith.select %ge3A_37, %gather3A_35, %broadcast_in_dim3A_38 : vector<16xi1>, vector<16xf32>
    %add3A_40 = arith.addf %select_n3A, %select_n3A_39 : vector<16xf32>
    %sub3A_41 = arith.constant 2 : i32
    %sub3A_42 = vector.broadcast %sub3A_41 : i32 to vector<16xi32>
    %sub3A_43 = arith.subi %iota3A, %sub3A_42 : vector<16xi32>
    %max3A_44 = arith.constant 0 : i32
    %max3A_45 = vector.broadcast %max3A_44 : i32 to vector<16xi32>
    %max3A_46 = arith.maxsi %sub3A_43, %max3A_45 : vector<16xi32>
    %lt3A_47 = arith.constant 0 : i32
    %lt3A_48 = vector.broadcast %lt3A_47 : i32 to vector<16xi32>
    %lt3A_49 = arith.cmpi slt, %max3A_46, %lt3A_48 : vector<16xi32>
    %add3A_50 = arith.constant 16 : i32
    %add3A_51 = vector.broadcast %add3A_50 : i32 to vector<16xi32>
    %add3A_52 = arith.addi %max3A_46, %add3A_51 : vector<16xi32>
    %select_n3A_53 = arith.select %lt3A_49, %add3A_52, %max3A_46 : vector<16xi1>, vector<16xi32>
    %broadcast_in_dim3A_54 = vector.shape_cast %select_n3A_53 : vector<16xi32> to vector<16x1xi32>
    %gather3A_55 = vector.shape_cast %broadcast_in_dim3A_54 : vector<16x1xi32> to vector<16xi32>
    %gather3A_56 = tpu.dynamic_gather %add3A_40[%gather3A_55] in [0] : vector<16xf32>, vector<16xi32> -> vector<16xf32>
    %ge3A_57 = arith.constant 2 : i32
    %ge3A_58 = vector.broadcast %ge3A_57 : i32 to vector<16xi32>
    %ge3A_59 = arith.cmpi sge, %iota3A, %ge3A_58 : vector<16xi32>
    %jit3A_60 = arith.constant 0.000000e+00 : f32
    %broadcast_in_dim3A_61 = vector.broadcast %jit3A_60 : f32 to vector<16xf32>
    %select_n3A_62 = arith.select %ge3A_59, %gather3A_56, %broadcast_in_dim3A_61 : vector<16xi1>, vector<16xf32>
    %add3A_63 = arith.addf %add3A_40, %select_n3A_62 : vector<16xf32>
    %sub3A_64 = arith.constant 4 : i32
    %sub3A_65 = vector.broadcast %sub3A_64 : i32 to vector<16xi32>
    %sub3A_66 = arith.subi %iota3A, %sub3A_65 : vector<16xi32>
    %max3A_67 = arith.constant 0 : i32
    %max3A_68 = vector.broadcast %max3A_67 : i32 to vector<16xi32>
    %max3A_69 = arith.maxsi %sub3A_66, %max3A_68 : vector<16xi32>
    %lt3A_70 = arith.constant 0 : i32
    %lt3A_71 = vector.broadcast %lt3A_70 : i32 to vector<16xi32>
    %lt3A_72 = arith.cmpi slt, %max3A_69, %lt3A_71 : vector<16xi32>
    %add3A_73 = arith.constant 16 : i32
    %add3A_74 = vector.broadcast %add3A_73 : i32 to vector<16xi32>
    %add3A_75 = arith.addi %max3A_69, %add3A_74 : vector<16xi32>
    %select_n3A_76 = arith.select %lt3A_72, %add3A_75, %max3A_69 : vector<16xi1>, vector<16xi32>
    %broadcast_in_dim3A_77 = vector.shape_cast %select_n3A_76 : vector<16xi32> to vector<16x1xi32>
    %gather3A_78 = vector.shape_cast %broadcast_in_dim3A_77 : vector<16x1xi32> to vector<16xi32>
    %gather3A_79 = tpu.dynamic_gather %add3A_63[%gather3A_78] in [0] : vector<16xf32>, vector<16xi32> -> vector<16xf32>
    %ge3A_80 = arith.constant 4 : i32
    %ge3A_81 = vector.broadcast %ge3A_80 : i32 to vector<16xi32>
    %ge3A_82 = arith.cmpi sge, %iota3A, %ge3A_81 : vector<16xi32>
    %jit3A_83 = arith.constant 0.000000e+00 : f32
    %broadcast_in_dim3A_84 = vector.broadcast %jit3A_83 : f32 to vector<16xf32>
    %select_n3A_85 = arith.select %ge3A_82, %gather3A_79, %broadcast_in_dim3A_84 : vector<16xi1>, vector<16xf32>
    %add3A_86 = arith.addf %add3A_63, %select_n3A_85 : vector<16xf32>
    %sub3A_87 = arith.constant 8 : i32
    %sub3A_88 = vector.broadcast %sub3A_87 : i32 to vector<16xi32>
    %sub3A_89 = arith.subi %iota3A, %sub3A_88 : vector<16xi32>
    %max3A_90 = arith.constant 0 : i32
    %max3A_91 = vector.broadcast %max3A_90 : i32 to vector<16xi32>
    %max3A_92 = arith.maxsi %sub3A_89, %max3A_91 : vector<16xi32>
    %lt3A_93 = arith.constant 0 : i32
    %lt3A_94 = vector.broadcast %lt3A_93 : i32 to vector<16xi32>
    %lt3A_95 = arith.cmpi slt, %max3A_92, %lt3A_94 : vector<16xi32>
    %add3A_96 = arith.constant 16 : i32
    %add3A_97 = vector.broadcast %add3A_96 : i32 to vector<16xi32>
    %add3A_98 = arith.addi %max3A_92, %add3A_97 : vector<16xi32>
    %select_n3A_99 = arith.select %lt3A_95, %add3A_98, %max3A_92 : vector<16xi1>, vector<16xi32>
    %broadcast_in_dim3A_100 = vector.shape_cast %select_n3A_99 : vector<16xi32> to vector<16x1xi32>
    %gather3A_101 = vector.shape_cast %broadcast_in_dim3A_100 : vector<16x1xi32> to vector<16xi32>
    %gather3A_102 = tpu.dynamic_gather %add3A_86[%gather3A_101] in [0] : vector<16xf32>, vector<16xi32> -> vector<16xf32>
    %ge3A_103 = arith.constant 8 : i32
    %ge3A_104 = vector.broadcast %ge3A_103 : i32 to vector<16xi32>
    %ge3A_105 = arith.cmpi sge, %iota3A, %ge3A_104 : vector<16xi32>
    %jit3A_106 = arith.constant 0.000000e+00 : f32
    %broadcast_in_dim3A_107 = vector.broadcast %jit3A_106 : f32 to vector<16xf32>
    %select_n3A_108 = arith.select %ge3A_105, %gather3A_102, %broadcast_in_dim3A_107 : vector<16xi1>, vector<16xf32>
    %add3A_109 = arith.addf %add3A_86, %select_n3A_108 : vector<16xf32>
    %broadcast_in_dim3A_110 = arith.constant 15 : i32
    %broadcast_in_dim3A_111 = vector.broadcast %broadcast_in_dim3A_110 : i32 to vector<16xi32>
    %lt3A_112 = arith.constant 0 : i32
    %lt3A_113 = vector.broadcast %lt3A_112 : i32 to vector<16xi32>
    %lt3A_114 = arith.cmpi slt, %broadcast_in_dim3A_111, %lt3A_113 : vector<16xi32>
    %add3A_115 = arith.constant 16 : i32
    %add3A_116 = vector.broadcast %add3A_115 : i32 to vector<16xi32>
    %add3A_117 = arith.addi %broadcast_in_dim3A_111, %add3A_116 : vector<16xi32>
    %select_n3A_118 = arith.select %lt3A_114, %add3A_117, %broadcast_in_dim3A_111 : vector<16xi1>, vector<16xi32>
    %broadcast_in_dim3A_119 = vector.shape_cast %select_n3A_118 : vector<16xi32> to vector<16x1xi32>
    %gather3A_120 = vector.shape_cast %broadcast_in_dim3A_119 : vector<16x1xi32> to vector<16xi32>
    %gather3A_121 = tpu.dynamic_gather %add3A_109[%gather3A_120] in [0] : vector<16xf32>, vector<16xi32> -> vector<16xf32>
    %sub3A_122 = arith.constant 1 : i32
    %sub3A_123 = vector.broadcast %sub3A_122 : i32 to vector<16xi32>
    %sub3A_124 = arith.subi %iota3A, %sub3A_123 : vector<16xi32>
    %max3A_125 = arith.constant 0 : i32
    %max3A_126 = vector.broadcast %max3A_125 : i32 to vector<16xi32>
    %max3A_127 = arith.maxsi %sub3A_124, %max3A_126 : vector<16xi32>
    %lt3A_128 = arith.constant 0 : i32
    %lt3A_129 = vector.broadcast %lt3A_128 : i32 to vector<16xi32>
    %lt3A_130 = arith.cmpi slt, %max3A_127, %lt3A_129 : vector<16xi32>
    %add3A_131 = arith.constant 16 : i32
    %add3A_132 = vector.broadcast %add3A_131 : i32 to vector<16xi32>
    %add3A_133 = arith.addi %max3A_127, %add3A_132 : vector<16xi32>
    %select_n3A_134 = arith.select %lt3A_130, %add3A_133, %max3A_127 : vector<16xi1>, vector<16xi32>
    %broadcast_in_dim3A_135 = vector.shape_cast %select_n3A_134 : vector<16xi32> to vector<16x1xi32>
    %gather3A_136 = vector.shape_cast %broadcast_in_dim3A_135 : vector<16x1xi32> to vector<16xi32>
    %gather3A_137 = tpu.dynamic_gather %add3A_23[%gather3A_136] in [0] : vector<16xf32>, vector<16xi32> -> vector<16xf32>
    %ge3A_138 = arith.constant 1 : i32
    %ge3A_139 = vector.broadcast %ge3A_138 : i32 to vector<16xi32>
    %ge3A_140 = arith.cmpi sge, %iota3A, %ge3A_139 : vector<16xi32>
    %jit3A_141 = arith.constant 0.000000e+00 : f32
    %broadcast_in_dim3A_142 = vector.broadcast %jit3A_141 : f32 to vector<16xf32>
    %select_n3A_143 = arith.select %ge3A_140, %gather3A_137, %broadcast_in_dim3A_142 : vector<16xi1>, vector<16xf32>
    %add3A_144 = arith.addf %add3A_23, %select_n3A_143 : vector<16xf32>
    %sub3A_145 = arith.constant 2 : i32
    %sub3A_146 = vector.broadcast %sub3A_145 : i32 to vector<16xi32>
    %sub3A_147 = arith.subi %iota3A, %sub3A_146 : vector<16xi32>
    %max3A_148 = arith.constant 0 : i32
    %max3A_149 = vector.broadcast %max3A_148 : i32 to vector<16xi32>
    %max3A_150 = arith.maxsi %sub3A_147, %max3A_149 : vector<16xi32>
    %lt3A_151 = arith.constant 0 : i32
    %lt3A_152 = vector.broadcast %lt3A_151 : i32 to vector<16xi32>
    %lt3A_153 = arith.cmpi slt, %max3A_150, %lt3A_152 : vector<16xi32>
    %add3A_154 = arith.constant 16 : i32
    %add3A_155 = vector.broadcast %add3A_154 : i32 to vector<16xi32>
    %add3A_156 = arith.addi %max3A_150, %add3A_155 : vector<16xi32>
    %select_n3A_157 = arith.select %lt3A_153, %add3A_156, %max3A_150 : vector<16xi1>, vector<16xi32>
    %broadcast_in_dim3A_158 = vector.shape_cast %select_n3A_157 : vector<16xi32> to vector<16x1xi32>
    %gather3A_159 = vector.shape_cast %broadcast_in_dim3A_158 : vector<16x1xi32> to vector<16xi32>
    %gather3A_160 = tpu.dynamic_gather %add3A_144[%gather3A_159] in [0] : vector<16xf32>, vector<16xi32> -> vector<16xf32>
    %ge3A_161 = arith.constant 2 : i32
    %ge3A_162 = vector.broadcast %ge3A_161 : i32 to vector<16xi32>
    %ge3A_163 = arith.cmpi sge, %iota3A, %ge3A_162 : vector<16xi32>
    %jit3A_164 = arith.constant 0.000000e+00 : f32
    %broadcast_in_dim3A_165 = vector.broadcast %jit3A_164 : f32 to vector<16xf32>
    %select_n3A_166 = arith.select %ge3A_163, %gather3A_160, %broadcast_in_dim3A_165 : vector<16xi1>, vector<16xf32>
    %add3A_167 = arith.addf %add3A_144, %select_n3A_166 : vector<16xf32>
    %sub3A_168 = arith.constant 4 : i32
    %sub3A_169 = vector.broadcast %sub3A_168 : i32 to vector<16xi32>
    %sub3A_170 = arith.subi %iota3A, %sub3A_169 : vector<16xi32>
    %max3A_171 = arith.constant 0 : i32
    %max3A_172 = vector.broadcast %max3A_171 : i32 to vector<16xi32>
    %max3A_173 = arith.maxsi %sub3A_170, %max3A_172 : vector<16xi32>
    %lt3A_174 = arith.constant 0 : i32
    %lt3A_175 = vector.broadcast %lt3A_174 : i32 to vector<16xi32>
    %lt3A_176 = arith.cmpi slt, %max3A_173, %lt3A_175 : vector<16xi32>
    %add3A_177 = arith.constant 16 : i32
    %add3A_178 = vector.broadcast %add3A_177 : i32 to vector<16xi32>
    %add3A_179 = arith.addi %max3A_173, %add3A_178 : vector<16xi32>
    %select_n3A_180 = arith.select %lt3A_176, %add3A_179, %max3A_173 : vector<16xi1>, vector<16xi32>
    %broadcast_in_dim3A_181 = vector.shape_cast %select_n3A_180 : vector<16xi32> to vector<16x1xi32>
    %gather3A_182 = vector.shape_cast %broadcast_in_dim3A_181 : vector<16x1xi32> to vector<16xi32>
    %gather3A_183 = tpu.dynamic_gather %add3A_167[%gather3A_182] in [0] : vector<16xf32>, vector<16xi32> -> vector<16xf32>
    %ge3A_184 = arith.constant 4 : i32
    %ge3A_185 = vector.broadcast %ge3A_184 : i32 to vector<16xi32>
    %ge3A_186 = arith.cmpi sge, %iota3A, %ge3A_185 : vector<16xi32>
    %jit3A_187 = arith.constant 0.000000e+00 : f32
    %broadcast_in_dim3A_188 = vector.broadcast %jit3A_187 : f32 to vector<16xf32>
    %select_n3A_189 = arith.select %ge3A_186, %gather3A_183, %broadcast_in_dim3A_188 : vector<16xi1>, vector<16xf32>
    %add3A_190 = arith.addf %add3A_167, %select_n3A_189 : vector<16xf32>
    %sub3A_191 = arith.constant 8 : i32
    %sub3A_192 = vector.broadcast %sub3A_191 : i32 to vector<16xi32>
    %sub3A_193 = arith.subi %iota3A, %sub3A_192 : vector<16xi32>
    %max3A_194 = arith.constant 0 : i32
    %max3A_195 = vector.broadcast %max3A_194 : i32 to vector<16xi32>
    %max3A_196 = arith.maxsi %sub3A_193, %max3A_195 : vector<16xi32>
    %lt3A_197 = arith.constant 0 : i32
    %lt3A_198 = vector.broadcast %lt3A_197 : i32 to vector<16xi32>
    %lt3A_199 = arith.cmpi slt, %max3A_196, %lt3A_198 : vector<16xi32>
    %add3A_200 = arith.constant 16 : i32
    %add3A_201 = vector.broadcast %add3A_200 : i32 to vector<16xi32>
    %add3A_202 = arith.addi %max3A_196, %add3A_201 : vector<16xi32>
    %select_n3A_203 = arith.select %lt3A_199, %add3A_202, %max3A_196 : vector<16xi1>, vector<16xi32>
    %broadcast_in_dim3A_204 = vector.shape_cast %select_n3A_203 : vector<16xi32> to vector<16x1xi32>
    %gather3A_205 = vector.shape_cast %broadcast_in_dim3A_204 : vector<16x1xi32> to vector<16xi32>
    %gather3A_206 = tpu.dynamic_gather %add3A_190[%gather3A_205] in [0] : vector<16xf32>, vector<16xi32> -> vector<16xf32>
    %ge3A_207 = arith.constant 8 : i32
    %ge3A_208 = vector.broadcast %ge3A_207 : i32 to vector<16xi32>
    %ge3A_209 = arith.cmpi sge, %iota3A, %ge3A_208 : vector<16xi32>
    %jit3A_210 = arith.constant 0.000000e+00 : f32
    %broadcast_in_dim3A_211 = vector.broadcast %jit3A_210 : f32 to vector<16xf32>
    %select_n3A_212 = arith.select %ge3A_209, %gather3A_206, %broadcast_in_dim3A_211 : vector<16xi1>, vector<16xf32>
    %add3A_213 = arith.addf %add3A_190, %select_n3A_212 : vector<16xf32>
    %add3A_214 = arith.addf %gather3A_121, %add3A_213 : vector<16xf32>
    %swap3A_215 = arith.constant 0 : index
    %swap3A_216 = tpu.vector_load %arg6[%swap3A_215] {strides = array<i32>} : memref<32xf32, #tpu.memory_space<vmem>>, vector<16xf32>,
    tpu.vector_store %arg6[%swap3A_215], %add3A_109 {strides = array<i32>} : memref<32xf32, #tpu.memory_space<vmem>>, vector<16xf32>,
    %swap3A_217 = arith.constant 16 : index
    %swap3A_218 = tpu.vector_load %arg6[%swap3A_217] {strides = array<i32>} : memref<32xf32, #tpu.memory_space<vmem>>, vector<16xf32>,
    tpu.vector_store %arg6[%swap3A_217], %add3A_214 {strides = array<i32>} : memref<32xf32, #tpu.memory_space<vmem>>, vector<16xf32>,
    %swap3A_219 = arith.constant 0 : index
    %swap3A_220 = tpu.vector_load %arg7[%swap3A_219] {strides = array<i32>} : memref<32xf32, #tpu.memory_space<vmem>>, vector<16xf32>,
    tpu.vector_store %arg7[%swap3A_219], %select_n3A {strides = array<i32>} : memref<32xf32, #tpu.memory_space<vmem>>, vector<16xf32>,
    %swap3A_221 = arith.constant 16 : index
    %swap3A_222 = tpu.vector_load %arg7[%swap3A_221] {strides = array<i32>} : memref<32xf32, #tpu.memory_space<vmem>>, vector<16xf32>,
    tpu.vector_store %arg7[%swap3A_221], %add3A_23 {strides = array<i32>} : memref<32xf32, #tpu.memory_space<vmem>>, vector<16xf32>,
    %scan3A = arith.constant 0 : i32
    %scan3A_223 = arith.constant 1.900000e+01 : f32
    %scan3A_224 = arith.constant 0 : i32
    %scan3A_225 = arith.constant 32 : i32
    %scan3A_226 = arith.addi %scan3A_224, %scan3A_225 : i32
    %scan3A_227 = arith.constant 1 : i32
    scf.for %scan3A_236 = %scan3A_224 to %scan3A_226 step %scan3A_227  : i32 {
      %mul3A_237 = arith.constant 2 : i32
      %mul3A_238 = arith.muli %mul3A_237, %scan3A_236 : i32
      %mul3A_239 = arith.constant 16384 : i32
      %mul3A_240 = arith.muli %mul3A_238, %mul3A_239 : i32
      %add3A_241 = arith.addi %mul3A_2, %mul3A_240 : i32
      %dma_wait3A_242 = tpu.memref_slice %arg2[%add3A_241] : memref<33554432xf32, #tpu.memory_space<hbm>> -> memref<16384xf32, #tpu.memory_space<hbm>>
      %dma_wait3A_243 = tpu.memref_slice %arg2[%add3A_241] : memref<33554432xf32, #tpu.memory_space<hbm>> -> memref<16384xf32, #tpu.memory_space<hbm>>
      tpu.wait_dma2 semaphore(%arg12 : memref<!tpu.dma_semaphore, #tpu.memory_space<semaphore_mem>>) src(%dma_wait3A_243 : memref<16384xf32, #tpu.memory_space<hbm>>) dst(%arg8 : memref<16384xf32, #tpu.memory_space<vmem>>)
      %gt3A = arith.constant 0 : i32
      %gt3A_244 = arith.cmpi sgt, %scan3A_236, %gt3A : i32
      %convert_element_type3A = arith.extui %gt3A_244 : i1 to i32
      %cond3A = arith.constant 0 : i32
      %cond3A_245 = arith.cmpi ne, %convert_element_type3A, %cond3A : i32
      scf.if %cond3A_245 {
        %sub3A_289 = arith.constant 2 : i32
        %sub3A_290 = arith.subi %mul3A_238, %sub3A_289 : i32
        %mul3A_291 = arith.constant 16384 : i32
        %mul3A_292 = arith.muli %sub3A_290, %mul3A_291 : i32
        %add3A_293 = arith.addi %mul3A_2, %mul3A_292 : i32
        %dma_wait3A_294 = tpu.memref_slice %arg4[%add3A_293] : memref<33554432xf32, #tpu.memory_space<hbm>> -> memref<16384xf32, #tpu.memory_space<hbm>>
        %dma_wait3A_295 = tpu.memref_slice %arg4[%add3A_293] : memref<33554432xf32, #tpu.memory_space<hbm>> -> memref<16384xf32, #tpu.memory_space<hbm>>
        tpu.wait_dma2 semaphore(%arg14 : memref<!tpu.dma_semaphore, #tpu.memory_space<semaphore_mem>>) src(%arg10 : memref<16384xf32, #tpu.memory_space<vmem>>) dst(%dma_wait3A_295 : memref<16384xf32, #tpu.memory_space<hbm>>)
      } else {
      }
      %parallel_loop3A = arith.constant 0 : i32
      %parallel_loop3A_246 = arith.constant 1024 : i32
      %parallel_loop3A_247 = arith.constant 1 : i32
      scf.for %parallel_loop3A_289 = %parallel_loop3A to %parallel_loop3A_246 step %parallel_loop3A_247  : i32 {
        %parallel_loop3A_290 = arith.constant 16 : i32
        %parallel_loop3A_291 = arith.muli %parallel_loop3A_289, %parallel_loop3A_290 : i32
        %parallel_loop3A_292 = arith.index_cast %parallel_loop3A_291 : i32 to index
        %parallel_loop3A_293 = tpu.vector_load %arg8[%parallel_loop3A_292] {strides = array<i32>} : memref<16384xf32, #tpu.memory_space<vmem>>, vector<16xf32>,
        %parallel_loop3A_294 = vector.broadcast %scan3A_223 : f32 to vector<16xf32>
        %parallel_loop3A_295 = arith.mulf %parallel_loop3A_293, %parallel_loop3A_294 : vector<16xf32>
        %parallel_loop3A_296 = arith.fptosi %parallel_loop3A_295 : vector<16xf32> to vector<16xi32>
        %parallel_loop3A_297 = arith.constant 0 : i32
        %parallel_loop3A_298 = vector.broadcast %parallel_loop3A_297 : i32 to vector<16xi32>
        %parallel_loop3A_299 = arith.maxsi %parallel_loop3A_296, %parallel_loop3A_298 : vector<16xi32>
        %parallel_loop3A_300 = arith.constant 18 : i32
        %parallel_loop3A_301 = vector.broadcast %parallel_loop3A_300 : i32 to vector<16xi32>
        %parallel_loop3A_302 = arith.minsi %parallel_loop3A_299, %parallel_loop3A_301 : vector<16xi32>
        %parallel_loop3A_303 = arith.sitofp %parallel_loop3A_302 : vector<16xi32> to vector<16xf32>
        %parallel_loop3A_304 = arith.subf %parallel_loop3A_295, %parallel_loop3A_303 : vector<16xf32>
        %parallel_loop3A_305 = tpu.vector_load_idx %arg6[%parallel_loop3A_302] : memref<32xf32, #tpu.memory_space<vmem>>[vector<16xi32>], vector<16xf32>,
        %parallel_loop3A_306 = arith.constant 1 : i32
        %parallel_loop3A_307 = vector.broadcast %parallel_loop3A_306 : i32 to vector<16xi32>
        %parallel_loop3A_308 = arith.addi %parallel_loop3A_302, %parallel_loop3A_307 : vector<16xi32>
        %parallel_loop3A_309 = tpu.vector_load_idx %arg7[%parallel_loop3A_308] : memref<32xf32, #tpu.memory_space<vmem>>[vector<16xi32>], vector<16xf32>,
        %parallel_loop3A_310 = arith.mulf %parallel_loop3A_304, %parallel_loop3A_309 : vector<16xf32>
        %parallel_loop3A_311 = arith.addf %parallel_loop3A_305, %parallel_loop3A_310 : vector<16xf32>
        %parallel_loop3A_312 = arith.constant 16 : i32
        %parallel_loop3A_313 = arith.muli %parallel_loop3A_289, %parallel_loop3A_312 : i32
        %parallel_loop3A_314 = arith.index_cast %parallel_loop3A_313 : i32 to index
        %parallel_loop3A_315 = tpu.vector_load %arg10[%parallel_loop3A_314] {strides = array<i32>} : memref<16384xf32, #tpu.memory_space<vmem>>, vector<16xf32>,
        tpu.vector_store %arg10[%parallel_loop3A_314], %parallel_loop3A_311 {strides = array<i32>} : memref<16384xf32, #tpu.memory_space<vmem>>, vector<16xf32>,
      } {sc.loop_unroll_factor = 8 : i64, sc.parallel_access}
      %mul3A_248 = arith.constant 16384 : i32
      %mul3A_249 = arith.muli %mul3A_238, %mul3A_248 : i32
      %add3A_250 = arith.addi %mul3A_2, %mul3A_249 : i32
      %dma_start3A_251 = tpu.memref_slice %arg4[%add3A_250] : memref<33554432xf32, #tpu.memory_space<hbm>> -> memref<16384xf32, #tpu.memory_space<hbm>>
      %dma_start3A_252 = tpu.memref_slice %arg4[%add3A_250] : memref<33554432xf32, #tpu.memory_space<hbm>> -> memref<16384xf32, #tpu.memory_space<hbm>>
      tpu.enqueue_dma source(%arg10 : memref<16384xf32, #tpu.memory_space<vmem>>) target(%dma_start3A_252 : memref<16384xf32, #tpu.memory_space<hbm>>) target_semaphore(%arg14 : memref<!tpu.dma_semaphore, #tpu.memory_space<semaphore_mem>>)
      %add3A_253 = arith.constant 1 : i32
      %add3A_254 = arith.addi %scan3A_236, %add3A_253 : i32
      %lt3A_255 = arith.constant 32 : i32
      %lt3A_256 = arith.cmpi slt, %add3A_254, %lt3A_255 : i32
      %convert_element_type3A_257 = arith.extui %lt3A_256 : i1 to i32
      %cond3A_258 = arith.constant 0 : i32
      %cond3A_259 = arith.cmpi ne, %convert_element_type3A_257, %cond3A_258 : i32
      scf.if %cond3A_259 {
        %add3A_289 = arith.constant 2 : i32
        %add3A_290 = arith.addi %mul3A_238, %add3A_289 : i32
        %mul3A_291 = arith.constant 16384 : i32
        %mul3A_292 = arith.muli %add3A_290, %mul3A_291 : i32
        %add3A_293 = arith.addi %mul3A_2, %mul3A_292 : i32
        %dma_start3A_294 = tpu.memref_slice %arg2[%add3A_293] : memref<33554432xf32, #tpu.memory_space<hbm>> -> memref<16384xf32, #tpu.memory_space<hbm>>
        %dma_start3A_295 = tpu.memref_slice %arg2[%add3A_293] : memref<33554432xf32, #tpu.memory_space<hbm>> -> memref<16384xf32, #tpu.memory_space<hbm>>
        tpu.enqueue_dma source(%dma_start3A_295 : memref<16384xf32, #tpu.memory_space<hbm>>) target(%arg8 : memref<16384xf32, #tpu.memory_space<vmem>>) target_semaphore(%arg12 : memref<!tpu.dma_semaphore, #tpu.memory_space<semaphore_mem>>)
      } else {
      }
      %add3A_260 = arith.constant 1 : i32
      %add3A_261 = arith.addi %mul3A_238, %add3A_260 : i32
      %mul3A_262 = arith.constant 16384 : i32
      %mul3A_263 = arith.muli %add3A_261, %mul3A_262 : i32
      %add3A_264 = arith.addi %mul3A_2, %mul3A_263 : i32
      %dma_wait3A_265 = tpu.memref_slice %arg2[%add3A_264] : memref<33554432xf32, #tpu.memory_space<hbm>> -> memref<16384xf32, #tpu.memory_space<hbm>>
      %dma_wait3A_266 = tpu.memref_slice %arg2[%add3A_264] : memref<33554432xf32, #tpu.memory_space<hbm>> -> memref<16384xf32, #tpu.memory_space<hbm>>
      tpu.wait_dma2 semaphore(%arg13 : memref<!tpu.dma_semaphore, #tpu.memory_space<semaphore_mem>>) src(%dma_wait3A_266 : memref<16384xf32, #tpu.memory_space<hbm>>) dst(%arg9 : memref<16384xf32, #tpu.memory_space<vmem>>)
      %gt3A_267 = arith.constant 0 : i32
      %gt3A_268 = arith.cmpi sgt, %scan3A_236, %gt3A_267 : i32
      %convert_element_type3A_269 = arith.extui %gt3A_268 : i1 to i32
      %cond3A_270 = arith.constant 0 : i32
      %cond3A_271 = arith.cmpi ne, %convert_element_type3A_269, %cond3A_270 : i32
      scf.if %cond3A_271 {
        %sub3A_289 = arith.constant 1 : i32
        %sub3A_290 = arith.subi %mul3A_238, %sub3A_289 : i32
        %mul3A_291 = arith.constant 16384 : i32
        %mul3A_292 = arith.muli %sub3A_290, %mul3A_291 : i32
        %add3A_293 = arith.addi %mul3A_2, %mul3A_292 : i32
        %dma_wait3A_294 = tpu.memref_slice %arg4[%add3A_293] : memref<33554432xf32, #tpu.memory_space<hbm>> -> memref<16384xf32, #tpu.memory_space<hbm>>
        %dma_wait3A_295 = tpu.memref_slice %arg4[%add3A_293] : memref<33554432xf32, #tpu.memory_space<hbm>> -> memref<16384xf32, #tpu.memory_space<hbm>>
        tpu.wait_dma2 semaphore(%arg15 : memref<!tpu.dma_semaphore, #tpu.memory_space<semaphore_mem>>) src(%arg11 : memref<16384xf32, #tpu.memory_space<vmem>>) dst(%dma_wait3A_295 : memref<16384xf32, #tpu.memory_space<hbm>>)
      } else {
      }
      %parallel_loop3A_272 = arith.constant 0 : i32
      %parallel_loop3A_273 = arith.constant 1024 : i32
      %parallel_loop3A_274 = arith.constant 1 : i32
      scf.for %parallel_loop3A_289 = %parallel_loop3A_272 to %parallel_loop3A_273 step %parallel_loop3A_274  : i32 {
        %parallel_loop3A_290 = arith.constant 16 : i32
        %parallel_loop3A_291 = arith.muli %parallel_loop3A_289, %parallel_loop3A_290 : i32
        %parallel_loop3A_292 = arith.index_cast %parallel_loop3A_291 : i32 to index
        %parallel_loop3A_293 = tpu.vector_load %arg9[%parallel_loop3A_292] {strides = array<i32>} : memref<16384xf32, #tpu.memory_space<vmem>>, vector<16xf32>,
        %parallel_loop3A_294 = vector.broadcast %scan3A_223 : f32 to vector<16xf32>
        %parallel_loop3A_295 = arith.mulf %parallel_loop3A_293, %parallel_loop3A_294 : vector<16xf32>
        %parallel_loop3A_296 = arith.fptosi %parallel_loop3A_295 : vector<16xf32> to vector<16xi32>
        %parallel_loop3A_297 = arith.constant 0 : i32
        %parallel_loop3A_298 = vector.broadcast %parallel_loop3A_297 : i32 to vector<16xi32>
        %parallel_loop3A_299 = arith.maxsi %parallel_loop3A_296, %parallel_loop3A_298 : vector<16xi32>
        %parallel_loop3A_300 = arith.constant 18 : i32
        %parallel_loop3A_301 = vector.broadcast %parallel_loop3A_300 : i32 to vector<16xi32>
        %parallel_loop3A_302 = arith.minsi %parallel_loop3A_299, %parallel_loop3A_301 : vector<16xi32>
        %parallel_loop3A_303 = arith.sitofp %parallel_loop3A_302 : vector<16xi32> to vector<16xf32>
        %parallel_loop3A_304 = arith.subf %parallel_loop3A_295, %parallel_loop3A_303 : vector<16xf32>
        %parallel_loop3A_305 = tpu.vector_load_idx %arg6[%parallel_loop3A_302] : memref<32xf32, #tpu.memory_space<vmem>>[vector<16xi32>], vector<16xf32>,
        %parallel_loop3A_306 = arith.constant 1 : i32
        %parallel_loop3A_307 = vector.broadcast %parallel_loop3A_306 : i32 to vector<16xi32>
        %parallel_loop3A_308 = arith.addi %parallel_loop3A_302, %parallel_loop3A_307 : vector<16xi32>
        %parallel_loop3A_309 = tpu.vector_load_idx %arg7[%parallel_loop3A_308] : memref<32xf32, #tpu.memory_space<vmem>>[vector<16xi32>], vector<16xf32>,
        %parallel_loop3A_310 = arith.mulf %parallel_loop3A_304, %parallel_loop3A_309 : vector<16xf32>
        %parallel_loop3A_311 = arith.addf %parallel_loop3A_305, %parallel_loop3A_310 : vector<16xf32>
        %parallel_loop3A_312 = arith.constant 16 : i32
        %parallel_loop3A_313 = arith.muli %parallel_loop3A_289, %parallel_loop3A_312 : i32
        %parallel_loop3A_314 = arith.index_cast %parallel_loop3A_313 : i32 to index
        %parallel_loop3A_315 = tpu.vector_load %arg11[%parallel_loop3A_314] {strides = array<i32>} : memref<16384xf32, #tpu.memory_space<vmem>>, vector<16xf32>,
        tpu.vector_store %arg11[%parallel_loop3A_314], %parallel_loop3A_311 {strides = array<i32>} : memref<16384xf32, #tpu.memory_space<vmem>>, vector<16xf32>,
      } {sc.loop_unroll_factor = 8 : i64, sc.parallel_access}
      %add3A_275 = arith.constant 1 : i32
      %add3A_276 = arith.addi %mul3A_238, %add3A_275 : i32
      %mul3A_277 = arith.constant 16384 : i32
      %mul3A_278 = arith.muli %add3A_276, %mul3A_277 : i32
      %add3A_279 = arith.addi %mul3A_2, %mul3A_278 : i32
      %dma_start3A_280 = tpu.memref_slice %arg4[%add3A_279] : memref<33554432xf32, #tpu.memory_space<hbm>> -> memref<16384xf32, #tpu.memory_space<hbm>>
      %dma_start3A_281 = tpu.memref_slice %arg4[%add3A_279] : memref<33554432xf32, #tpu.memory_space<hbm>> -> memref<16384xf32, #tpu.memory_space<hbm>>
      tpu.enqueue_dma source(%arg11 : memref<16384xf32, #tpu.memory_space<vmem>>) target(%dma_start3A_281 : memref<16384xf32, #tpu.memory_space<hbm>>) target_semaphore(%arg15 : memref<!tpu.dma_semaphore, #tpu.memory_space<semaphore_mem>>)
      %add3A_282 = arith.constant 1 : i32
      %add3A_283 = arith.addi %scan3A_236, %add3A_282 : i32
      %lt3A_284 = arith.constant 32 : i32
      %lt3A_285 = arith.cmpi slt, %add3A_283, %lt3A_284 : i32
      %convert_element_type3A_286 = arith.extui %lt3A_285 : i1 to i32
      %cond3A_287 = arith.constant 0 : i32
      %cond3A_288 = arith.cmpi ne, %convert_element_type3A_286, %cond3A_287 : i32
      scf.if %cond3A_288 {
        %add3A_289 = arith.constant 3 : i32
        %add3A_290 = arith.addi %mul3A_238, %add3A_289 : i32
        %mul3A_291 = arith.constant 16384 : i32
        %mul3A_292 = arith.muli %add3A_290, %mul3A_291 : i32
        %add3A_293 = arith.addi %mul3A_2, %mul3A_292 : i32
        %dma_start3A_294 = tpu.memref_slice %arg2[%add3A_293] : memref<33554432xf32, #tpu.memory_space<hbm>> -> memref<16384xf32, #tpu.memory_space<hbm>>
        %dma_start3A_295 = tpu.memref_slice %arg2[%add3A_293] : memref<33554432xf32, #tpu.memory_space<hbm>> -> memref<16384xf32, #tpu.memory_space<hbm>>
        tpu.enqueue_dma source(%dma_start3A_295 : memref<16384xf32, #tpu.memory_space<hbm>>) target(%arg9 : memref<16384xf32, #tpu.memory_space<vmem>>) target_semaphore(%arg13 : memref<!tpu.dma_semaphore, #tpu.memory_space<semaphore_mem>>)
      } else {
      }
    }
    %scan3A_228 = arith.constant 32 : i32
    %add3A_229 = arith.constant 1015808 : i32
    %add3A_230 = arith.addi %mul3A_2, %add3A_229 : i32
    %dma_wait3A = tpu.memref_slice %arg4[%add3A_230] : memref<33554432xf32, #tpu.memory_space<hbm>> -> memref<16384xf32, #tpu.memory_space<hbm>>
    %dma_wait3A_231 = tpu.memref_slice %arg4[%add3A_230] : memref<33554432xf32, #tpu.memory_space<hbm>> -> memref<16384xf32, #tpu.memory_space<hbm>>
    tpu.wait_dma2 semaphore(%arg14 : memref<!tpu.dma_semaphore, #tpu.memory_space<semaphore_mem>>) src(%arg10 : memref<16384xf32, #tpu.memory_space<vmem>>) dst(%dma_wait3A_231 : memref<16384xf32, #tpu.memory_space<hbm>>)
    %add3A_232 = arith.constant 1032192 : i32
    %add3A_233 = arith.addi %mul3A_2, %add3A_232 : i32
    %dma_wait3A_234 = tpu.memref_slice %arg4[%add3A_233] : memref<33554432xf32, #tpu.memory_space<hbm>> -> memref<16384xf32, #tpu.memory_space<hbm>>
    %dma_wait3A_235 = tpu.memref_slice %arg4[%add3A_233] : memref<33554432xf32, #tpu.memory_space<hbm>> -> memref<16384xf32, #tpu.memory_space<hbm>>
    tpu.wait_dma2 semaphore(%arg15 : memref<!tpu.dma_semaphore, #tpu.memory_space<semaphore_mem>>) src(%arg11 : memref<16384xf32, #tpu.memory_space<vmem>>) dst(%dma_wait3A_235 : memref<16384xf32, #tpu.memory_space<hbm>>)
    return
  }
}

</mosaic_0001>

<sc_bundles>
// kernel: kernel.3.cloned.1.call-start
scs
__scs_entry_jumppad:
0x0: {  	(pc) =	sbr.rel $0x88, $3  }
0x1: {  	(tag) =	ssettag $0x0;
	lr =	simm.s32 $0x1  }
0x2: {  	[smem:$0x3F9F] =	sst lr;
	_ =	strace $0xD0000000  }
0x3: {  	_ = 	snop  }
0x4: {  	_ = 	snop  }
0x5: {  	_ = 	snop  }
0x6: {  	_ = 	snop  }
0x7: {  	_ = 	snop  }
__scs_overlays_trampoline_lowered:
0x8: {  	[smem:$0x3FAE] =	sst s0  }
0x9: {  	[smem:$0x3FAF] =	sst s1  }
0xa: {  	[smem:$0x3FB0] =	sst s2  }
0xb: {  	[smem:$0x3FB1] =	sst s3  }
0xc: {  	[smem:$0x3FB2] =	sst s4  }
0xd: {  	[smem:$0x3FB3] =	sst s5  }
0xe: {  	[smem:$0x3FB4] =	sst s6  }
0xf: {  	[smem:$0x3FB5] =	sst s7  }
0x10: {  	[smem:$0x3FB6] =	sst s8  }
0x11: {  	[smem:$0x3FB7] =	sst s9;
	s0 =	simm.s32 @!p0 $0x0  }
0x12: {  	s1 =	sld [smem:$0x3F9D];
	s0 =	simm.s32 @p0 $0x1  }
0x13: {  	[smem:$0x3FB8] =	sst s0;
	s0 =	simm.s32 @!p1 $0x0  }
0x14: {  	s2 =	sld [smem:$0x3F9C];
	s0 =	simm.s32 @p1 $0x1  }
0x15: {  	[smem:$0x3FB9] =	sst s0;
	s0 =	simm.s32 @!p2 $0x0  }
0x16: {  	s3 =	sld [smem:$0x3FDB];
	s0 =	simm.s32 @p2 $0x1  }
0x17: {  	s4 =	simm.s32 $0x1BF5;
	[smem:$0x3FBB] =	sst s0  }
0x18: {  	s0 =	sld [smem:$0x3F9E];
	_ =	swait.ge [sflag:s4], $0x0  }
0x19: {  	s7 =	sld [smem:$0x3F9F]  }
0x1a: {  	s8 =	sadd.s32 $0xFFFFE003, lr  }
0x1b: {  	s9 =	sadd.s32 $0xFFFFFEF7, lr;
	s5 =	simm.s32 $0xFFFFFFFF;
	p2 =	slt.u32 s8, $0xFFFFF086  }
0x1c: {  	p1 =	slt.u32 s9, $0xF7A;
	s5 =	simm.s32 @!p2 $0x0  }
0x1d: {  	s5 =	simm.s32 @p1 $0x1;
	p0 =	seq.s32 s7, s2  }
0x1e: {  	s7 =	smul.u32 @!p0 $0xF7A, s2;
	p2 =	seq.s32 @!p0 s5, $0x0  }
0x1f: {  	s9 =	smul.u32 $0xF7A, s1;
	s8 =	simm.s32 @!p0 $0x1BF5;
	p2 =	por !p2, p0  }
0x20: {  	[sflag:s8] =	ssyncset.s32 @!p0 $0xFFFFF086;
	s6 =	sadd.s32 @!p0 s3, s7;
	s7 =	simm.s32 @!p0 $0x108  }
0x21: {  	s3 =	sadd.s32 s3, s9;
	s6 =	sadd.s32 @!p0 $0x88, s6;
	s7 =	simm.s32 @p2 $0x1082  }
0x22: {  	[simem:s7], [sflag:s8] =	dma.local @!p0 [hbm:s6], $0xF7A  }
0x23: {  	s9 =	sor.u32 $0xD0000000, s2;
	s6 =	simm.s32 $0x108;
	_ =	swait.ge @!p0 [sflag:s8], $0x0  }
0x24: {  	s3 =	sadd.s32 $0x88, s3;
	s6 =	simm.s32 @!p1 $0x1082;
	[sflag:s4] =	ssyncset.s32 $0xFFFFF086  }
0x25: {  	[simem:s6], [sflag:s4] =	dma.local [hbm:s3], $0xF7A  }
0x26: {  	[smem:$0x3F9F] =	sst s1;
	(tag) =	ssettag s2;
	_ =	strace s9  }
0x27: {  	s1 =	sld [smem:$0x3FAF]  }
0x28: {  	s2 =	sld [smem:$0x3FB0]  }
0x29: {  	s4 =	sld [smem:$0x3FB2]  }
0x2a: {  	p0 =	seq.s32 s5, $0x0;
	s5 =	sld [smem:$0x3FB3]  }
0x2b: {  	s6 =	sld [smem:$0x3FB4]  }
0x2c: {  	s7 =	sld [smem:$0x3FB5]  }
0x2d: {  	s3 =	simm.s32 $0x108;
	s8 =	sld [smem:$0x3FB6]  }
0x2e: {  	s3 =	simm.s32 @!p0 $0x1082;
	s9 =	sld [smem:$0x3FB7]  }
0x2f: {  	lr =	sadd.s32 s0, s3;
	s0 =	sld [smem:$0x3FAE]  }
0x30: {  	s3 =	sld [smem:$0x3FB1]  }
0x31: {  	[smem:$0x3FBA] =	sst s10  }
0x32: {  	s10 =	sld [smem:$0x3FB8];
	_ =	sdelay $0x3  }
0x33: {  	p0 =	seq.s32 s10, $0x1;
	s10 =	sld [smem:$0x3FBA];
	_ =	sdelay $0x3  }
0x34: {  	[smem:$0x3FBA] =	sst s10  }
0x35: {  	s10 =	sld [smem:$0x3FB9];
	_ =	sdelay $0x3  }
0x36: {  	p1 =	seq.s32 s10, $0x1;
	s10 =	sld [smem:$0x3FBA];
	_ =	sdelay $0x3  }
0x37: {  	[smem:$0x3FBA] =	sst s10  }
0x38: {  	s10 =	sld [smem:$0x3FBB]  }
0x39: {  	_ = 	snop;
	(pc) =	sbr.ind lr, $3  }
0x3a: {  	_ = 	snop  }
0x3b: {  	_ = 	snop  }
0x3c: {  	p2 =	seq.s32 s10, $0x1;
	s10 =	sld [smem:$0x3FBA]  }
0x3d: {  	_ =	shalt  }
0x3e: {  	_ =	shalt  }
0x3f: {  	_ =	shalt  }
0x40: {  	_ =	shalt  }
0x41: {  	_ =	shalt  }
0x42: {  	_ =	shalt  }
0x43: {  	_ =	shalt  }
0x44: {  	_ =	shalt  }
0x45: {  	_ =	shalt  }
0x46: {  	_ =	shalt  }
0x47: {  	_ =	shalt  }
0x48: {  	_ =	shalt  }
0x49: {  	_ =	shalt  }
0x4a: {  	_ =	shalt  }
0x4b: {  	_ =	shalt  }
0x4c: {  	_ =	shalt  }
0x4d: {  	_ =	shalt  }
0x4e: {  	_ =	shalt  }
0x4f: {  	_ =	shalt  }
0x50: {  	_ =	shalt  }
0x51: {  	_ =	shalt  }
0x52: {  	_ =	shalt  }
0x53: {  	_ =	shalt  }
0x54: {  	_ =	shalt  }
0x55: {  	_ =	shalt  }
0x56: {  	_ =	shalt  }
0x57: {  	_ =	shalt  }
0x58: {  	_ =	shalt  }
0x59: {  	_ =	shalt  }
0x5a: {  	_ =	shalt  }
0x5b: {  	_ =	shalt  }
0x5c: {  	_ =	shalt  }
0x5d: {  	_ =	shalt  }
0x5e: {  	_ =	shalt  }
0x5f: {  	_ =	shalt  }
0x60: {  	_ =	shalt  }
0x61: {  	_ =	shalt  }
0x62: {  	_ =	shalt  }
0x63: {  	_ =	shalt  }
0x64: {  	_ =	shalt  }
0x65: {  	_ =	shalt  }
0x66: {  	_ =	shalt  }
0x67: {  	_ =	shalt  }
0x68: {  	_ =	shalt  }
0x69: {  	_ =	shalt  }
0x6a: {  	_ =	shalt  }
0x6b: {  	_ =	shalt  }
0x6c: {  	_ =	shalt  }
0x6d: {  	_ =	shalt  }
0x6e: {  	_ =	shalt  }
0x6f: {  	_ =	shalt  }
0x70: {  	_ =	shalt  }
0x71: {  	_ =	shalt  }
0x72: {  	_ =	shalt  }
0x73: {  	_ =	shalt  }
0x74: {  	_ =	shalt  }
0x75: {  	_ =	shalt  }
0x76: {  	_ =	shalt  }
0x77: {  	_ =	shalt  }
0x78: {  	_ =	shalt  }
0x79: {  	_ =	shalt  }
0x7a: {  	_ =	shalt  }
0x7b: {  	_ =	shalt  }
0x7c: {  	_ =	shalt  }
0x7d: {  	_ =	shalt  }
0x7e: {  	_ =	shalt  }
0x7f: {  	_ =	shalt  }
0x80: {  	_ =	shalt  }
0x81: {  	_ =	shalt  }
0x82: {  	_ =	shalt  }
0x83: {  	_ =	shalt  }
0x84: {  	_ =	shalt  }
0x85: {  	_ =	shalt  }
0x86: {  	_ =	shalt  }
0x87: {  	_ =	shalt  }
.Lfunc_end0:
.L_simem_size_0:
called_computation_lowered:
.L_overlay_start_0:
0x88: {  	s2 =	sld [smem:$0x3FD9]  }
0x89: {  	s3 =	sld [smem:$0x3FFE];
	_ =	sdelay $0x1  }
0x8a: {  	s1 =	srdreg.scid  }
0x8b: {  	s0 =	sand.u32 $0x1, s1  }
0x8c: {  	s18 =	sshll.u32 s0, $0xA;
	s2 =	sadd.s32 s3, s2  }
0x8d: {  	s2 =	sadd.s32 s2, s18  }
0x8e: {  	[smem:$0x3FC6] =	sst s2  }
0x8f: {  	_ = 	snop  }
0x90: {  	s2 =	sld [smem:$0x3FC9]  }
0x91: {  	s19 =	sld [smem:$0x3FC8]  }
0x92: {  	s4 =	sld [smem:$0x3FD0];
	(tm) =	ssettm $0x1  }
0x93: {  	s5 =	sld [smem:$0x3FFB];
	_ =	sdelay $0x3  }
0x94: {  	_ =	strace s5  }
0x95: {  	s5 =	sld [smem:$0x3FFC];
	_ =	sdelay $0x3  }
0x96: {  	_ =	strace s5  }
0x97: {  	s5 =	sld [smem:$0x3FFD];
	_ =	sdelay $0x3  }
0x98: {  	_ =	strace s5  }
0x99: {  	_ =	strace $0x8FFFFFFF  }
0x9a: {  	s20 =	sld [smem:$0x3FDB];
	_ =	sdelay $0x1  }
0x9b: {  	s6 =	simm.s32 $_scs_section_size  }
0x9c: {  	s7 =	simm.s32 $_size__tile_overlayer_lowered;
	s8 =	simm.s32 $_tile_overlayer_lowered  }
0x9d: {  	s23 =	simm.s32 $0x1BFF;
	s22 =	sshll.u32 s8, $0x1;
	s5 =	sadd.s32 s6, s20  }
0x9e: {  	s9 =	simm.s32 $0x0;
	s21 =	sshll.u32 s7, $0x1;
	s7 =	sadd.s32 s22, s5  }
0x9f: {  	[timem:s9], [sflag:s23] =	dma.local [hbm:s7], s21  }
0xa0: {  	_ =	swait.ge [sflag:s23], s21  }
0xa1: {  	s6 =	ssub.s32 $0x0, s21;
	[sflag:s23] =	ssyncset.done $0x0  }
0xa2: {  	[sflag:s23] =	ssyncadd.s32 s6;
	_ =	sdelay $0x1  }
0xa3: {  	s24 =	simm.s32 $0x1B8B  }
0xa4: {  	_ =	swait.ge [sflag:s24], $0x1  }
0xa5: {  	[sflag:s24] =	ssyncset.done $0x0  }
0xa6: {  	s25 =	simm.s32 $0x1B8E;
	[sflag:s24] =	ssyncadd.s32 $0xFFFFFFFF  }
0xa7: {  	s26 =	simm.s32 $execute0_lowered;
	[smem:$0x3FD2] =	sst s25  }
0xa8: {  	s6 =	sshll.u32 s26, $0x1;
	_ =	strace $0x80000046;
	[dreg:$0x1] =	wrdreg $0xFFFFFFFF  }
0xa9: {  	s28 =	simm.s32 $_size_execute0_lowered;
	s5 =	sadd.s32 s5, s6;
	[dreg:$0x0] =	wrdreg $0x0  }
0xaa: {  	s6 =	sshll.u32 s28, $0x1;
	[dreg:$0x2] =	wrdreg s5  }
0xab: {  	[dreg:$0x3] =	wrdreg s6  }
0xac: {  	[dreg:$0x4] =	wrdreg $0xC0  }
0xad: {  	_ =	task [dreg:s9], $0x5FFFF  }
0xae: {  	[dreg:$0x1] =	wrdreg $0xFFFFFFFF  }
0xaf: {  	[dreg:$0x0] =	wrdreg $0x60  }
0xb0: {  	[dreg:$0x2] =	wrdreg s2  }
0xb1: {  	[dreg:$0x3] =	wrdreg s19  }
0xb2: {  	[dreg:$0x4] =	wrdreg s4  }
0xb3: {  	[dreg:$0x5] =	wrdreg $0x9  }
0xb4: {  	_ =	task.clear_ibuf [dreg:s9], $0x6FFFF;
	_ =	strace $0x90000046  }
0xb5: {  	s29 =	simm.s32 $0x9;
	_ =	strace $0x80000048  }
0xb6: {  	_ =	swait.ge [sflag:s29], $0x1  }
0xb7: {  	[sflag:s29] =	ssyncadd.s32 $0xFFFFFFFF  }
0xb8: {  	_ =	strace $0x90000048  }
0xb9: {  	_ =	sfence  }
0xba: {  	s30 =	sld [smem:$0x0];
	_ =	sdelay $0x2  }
0xbb: {  	s31 =	sshll.u32 s1, $0xD;
	s1 =	sshrl.u32 s1, $0x2  }
0xbc: {  	s3 =	sand.u32 $0x4000, s31;
	s1 =	sadd.s32 s1, s30  }
0xbd: {  	s0 =	sor.u32 s3, s0;
	s1 =	sshll.u32 s1, $0x11  }
0xbe: {  	s0 =	sor.u32 s1, s0  }
0xbf: {  	s0 =	sadd.s32 $0x8F2B, s0  }
0xc0: {  	[sflag:s0] =	ssyncadd.remote.s32 $0x1  }
0xc1: {  	_ =	sfence.sel $0xFFFF  }
0xc2: {  	[dreg:$0x0] =	wrdreg $0xFFFFFFFF;
	(pc) =	sbr.abs _section_cstart, $3  }
0xc3: {  	[dreg:$0x1] =	wrdreg $0xFFFFFFFF  }
0xc4: {  	_ =	task.clear_ibuf [dreg:s9], $0x2FFFF;
	_ =	strace $0x9FFFFFFF  }
0xc5: {  	(tm) =	ssettm $0x7FFFFFFF  }
tec
execute0_lowered:
.L_overlay_start_1:
0x0: {  	(tag) =	ssettag $0x1  }
0x1: {  	v0 =	vimm.s32 $0xEDCBA987  }
0x2: {  	v1 =	vimm.s32 $0x65432100;
	v0 =	vunpack.c.l.s4.s8 v0  }
0x3: {  	v1 =	vunpack.c.l.s4.s8 v1  }
0x4: {  	s1 =	rddreg [dreg:$0x0];
	v2 =	vimm.s32 $0xDCBA9876;
	v5 =	vimm.s32 $0xE40000;
	v0 =	vunpack.c.0.s8.s32 v0  }
0x5: {  	s0 =	srdreg.scid;
	s2 =	rddreg [dreg:$0x1];
	v4 =	vimm.s32 $0x32100000;
	v5 =	vunpack.c.l.s2.s4 v5;
	v1 =	vunpack.c.0.s8.s32 v1  }
0x6: {  	s3 =	stileid.u32;
	s4 =	rddreg [dreg:$0x2];
	s6 =	simm.s32 $0x0;
	vm0 =	vmmov $0x1;
	vm1 =	vmmov $0x3;
	v0 =	vand.u32 $0xF, v0  }
0x7: {  	s12 =	simm.s32 $0x180;
	s13 =	simm.s32 $0x4180;
	s14 =	simm.s32 $0x5;
	v5 =	vunpack.c.l.s4.s8 v5;
	v0 =	vcombine.low v1, v0;
	v1 =	vimm.s32 $0x54321000  }
0x8: {  	s15 =	simm.s32 $0x1;
	s16 =	simm.s32 $0x80;
	s17 =	simm.s32 $0x100;
	v3 =	vunpack.c.l.s4.s8 v1;
	v1 =	vunpack.c.l.s4.s8 v2;
	v2 =	vimm.s32 $0xBA987654  }
0x9: {  	vm2 =	vmmov $0xf;
	s18 =	simm.s32 $0x8180;
	s19 =	simm.s32 $0x2;
	s20 =	simm.s32 $0x4;
	v4 =	vunpack.c.l.s4.s8 v4;
	v2 =	vunpack.c.l.s4.s8 v2  }
0xa: {  	vm3 =	vcmask $0x3F30;
	s21 =	simm.s32 $0xC180;
	s22 =	simm.s32 $0x3;
	s0 =	sand.u32 $0x1, s0;
	v5 =	vunpack.c.0.s8.s32 v5;
	v6 =	vunpack.c.0.s8.s32 v1  }
0xb: {  	s23 =	simm.s32 $0x0;
	s3 =	sshll.u32 s3, $0x15;
	s5 =	sshll.u32 s0, $0x14;
	v4 =	vunpack.c.0.s8.s32 v4;
	v3 =	vunpack.c.0.s8.s32 v3;
	v7 =	vunpack.c.0.s8.s32 v2  }
0xc: {  	[smem:$0x7FF] =	sst s6;
	s0 =	ssub.s32 $0x2, s0;
	s5 =	sor.u32 s5, s3;
	v5 =	vand.u32 $0x3, v5;
	v2 =	vand.u32 $0xF, v6;
	v6 =	vimm.s32 $0x7060504  }
0xd: {  	_ =	strace $0x80000047;
	s8 =	sshrl.u32 s0, $0x1;
	s3 =	sshrl.u32 s5, $0x3;
	v2 =	vcombine.low v3, v2;
	v3 =	vand.u32 $0xF, v7;
	v6 =	vunpack.c.0.s8.s32 v6  }
0xe: {  	s0 =	ssub.s32 s0, s8;
	s9 =	sor.u32 $0x8000, s5;
	s7 =	sadd.s32 s1, s3;
	v1 =	vimm.f32 $0.0e+00;
	v3 =	vcombine.low v4, v3;
	v4 =	vlaneseq.u32  }
0xf: {  	s10 =	sor.u32 $0xC000, s5;
	s11 =	smax.u32 s0, $0x1;
	s8 =	sadd.s32 $0x800, s7;
	v5 =	vsel vm3, v6, v5;
	vm3 =	vmmov $0xff;
	v6 =	vimm.s32 $0xF  }
.LBB2_1:
0x10: {  	[tilespmem:s12], [sflag:$0x1] =	stream.linear.gather [hbm4b:s7+s6], $0x4000, $0x38;
	[tilespmem:$0x10180] =	vst v63  }
0x11: {  	_ = 	snop  }
0x12: {  	[tilespmem:s13], [sflag:$0x2] =	stream.linear.gather [hbm4b:s8+s6], $0x4000, $0x38;
	[tilespmem:$0x10180] =	vst v63  }
0x13: {  	[tilespmem:$0x10] =	vst v1  }
0x14: {  	[tilespmem:s6], [sflag:$0x5] =	stream.linear.gather [hbm4b:s2+s6], $0x14, $0x38;
	[tilespmem:$0x10180] =	vst v63  }
0x15: {  	_ =	swait.ge [sflag:s14], $0x14  }
0x16: {  	[sflag:s14] =	ssyncset.done $0x0  }
0x17: {  	[sflag:s14] =	ssyncadd.s32 $0xFFFFFFEC  }
0x18: {  	v7 =	vld [tilespmem:$0x0];
	_ =	sdelay $0x4  }
0x19: {  	v8 =	vld [tilespmem:$0x10];
	v9 =	vmul.f32 $1.442695020e+00, v7;
	_ =	sdelay $0x1  }
0x1a: {  	(erf) = vpow2.f32 v9;
	_ =	sdelay $0x2  }
0x1b: {  	v8 =	vmul.f32 $1.442695020e+00, v8;
	_ =	sdelay $0x1  }
0x1c: {  	(erf) = vpow2.f32 v8;
	_ =	sdelay $0x3  }
0x1d: {  	v8 =	vpop (erf)  }
0x1e: {  	v8 =	vadd.f32 $9.999999970e-07, v8;
	_ =	sdelay $0x3  }
0x1f: {  	v7 =	vsel vm0, v7, v8;
	v8 =	vpop (erf)  }
0x20: {  	v53 =	vperm.xlane v7, v0;
	v8 =	vadd.f32 $9.999999970e-07, v8  }
0x21: {  	vm4 =	veq.s32 v4, $0x0  }
0x22: {  	v9 =	vsel vm4, $0x0, v53;
	v10 =	vperm.xlane v8, v0  }
0x23: {  	v9 =	vadd.f32 v7, v9  }
0x24: {  	v10 =	vsel vm4, $0x0, v10  }
0x25: {  	v11 =	vperm.xlane v9, v2;
	v10 =	vadd.f32 v10, v8;
	_ =	sdelay $0x1  }
0x26: {  	v11 =	vsel vm1, $0x0, v11;
	v12 =	vperm.xlane v10, v2  }
0x27: {  	v9 =	vadd.f32 v9, v11  }
0x28: {  	v54 =	vsel vm1, $0x0, v12  }
0x29: {  	v55 =	vperm.xlane v9, v3;
	v10 =	vadd.f32 v54, v10;
	_ =	sdelay $0x1  }
0x2a: {  	v56 =	vsel vm2, $0x0, v55;
	v57 =	vperm.xlane v10, v3  }
0x2b: {  	v9 =	vadd.f32 v9, v56  }
0x2c: {  	v58 =	vsel vm2, $0x0, v57  }
0x2d: {  	v59 =	vperm.xlane v9, v5;
	v10 =	vadd.f32 v58, v10;
	_ =	sdelay $0x1  }
0x2e: {  	v60 =	vsel vm3, $0x0, v59;
	v61 =	vperm.xlane v10, v5  }
0x2f: {  	v9 =	vadd.f32 v9, v60  }
0x30: {  	v62 =	vsel vm3, $0x0, v61  }
0x31: {  	v63 =	vperm.xlane v9, v6;
	v10 =	vadd.f32 v62, v10  }
0x32: {  	[tilespmem:$0x100] =	vst v7  }
0x33: {  	[tilespmem:$0x110] =	vst v8;
	v10 =	vadd.f32 v10, v63  }
0x34: {  	[tilespmem:$0x80] =	vst v9  }
0x35: {  	s24 =	simm.s32 $0x0;
	[tilespmem:$0x90] =	vst v10  }
.LBB2_2:
0x36: {  	_ =	swait.ge [sflag:s15], $0x4000  }
0x37: {  	p0 =	seq.s32 s24, $0x0;
	[sflag:s15] =	ssyncset.done $0x0  }
0x38: {  	s0 =	simm.s32 @!p0 $0x3;
	[sflag:s15] =	ssyncadd.s32 $0xFFFFC000  }
0x39: {  	_ =	swait.ge @!p0 [sflag:s0], $0x4000  }
0x3a: {  	[sflag:s0] =	ssyncset.done @!p0 $0x0  }
0x3b: {  	s25 =	simm.s32 $0x1C0;
	[sflag:s0] =	ssyncadd.s32 @!p0 $0xFFFFC000  }
0x3c: {  	v7 =	vld [tilespmem:s25+$0xFFFFFFF0]  }
0x3d: {  	v8 =	vld [tilespmem:s25+$0x30]  }
0x3e: {  	v9 =	vld [tilespmem:s25+$0xFFFFFFC0]  }
0x3f: {  	v10 =	vld [tilespmem:s25+$0x0]  }
0x40: {  	v11 =	vld [tilespmem:s25+$0xFFFFFFE0]  }
0x41: {  	v12 =	vld [tilespmem:s25+$0x10]  }
0x42: {  	v13 =	vld [tilespmem:s25+$0xFFFFFFD0]  }
0x43: {  	v14 =	vld [tilespmem:s25+$0x20];
	_ =	sdelay $0x1  }
0x44: {  	v8 =	vmul.f32 $1.900000000e+01, v8;
	v9 =	vmul.f32 $1.900000000e+01, v9  }
0x45: {  	v10 =	vmul.f32 $1.900000000e+01, v10;
	v16 =	vmul.f32 $1.900000000e+01, v7  }
0x46: {  	v7 =	vmul.f32 $1.900000000e+01, v11;
	v12 =	vmul.f32 $1.900000000e+01, v12  }
0x47: {  	v13 =	vmul.f32 $1.900000000e+01, v13;
	v14 =	vmul.f32 $1.900000000e+01, v14  }
0x48: {  	v11 =	vtrunc.f32 v9;
	v15 =	vtrunc.f32 v7  }
0x49: {  	v17 =	vtrunc.f32 v10;
	v18 =	vtrunc.f32 v8  }
0x4a: {  	v19 =	vtrunc.f32 v12;
	v20 =	vtrunc.f32 v16  }
0x4b: {  	v23 =	vtrunc.f32 v13;
	v11 =	vcvt.f32.s32 v11  }
0x4c: {  	v15 =	vcvt.f32.s32 v15;
	v18 =	vcvt.f32.s32 v18  }
0x4d: {  	v20 =	vcvt.f32.s32 v20;
	v17 =	vcvt.f32.s32 v17;
	vm4 =	vgt.s32 v11, $0x0  }
0x4e: {  	vm6 =	vgt.s32 v18, $0x0;
	v11 =	vnsel vm4, $0x0, v11;
	vm4 =	vgt.s32 v15, $0x0  }
0x4f: {  	vm7 =	vgt.s32 v17, $0x0;
	v11 =	vmin.u32 v11, $0x12;
	v15 =	vnsel vm4, $0x0, v15  }
0x50: {  	s26 =	simm.s32 $0x240;
	v18 =	vnsel vm6, $0x0, v18;
	v22 =	vadd.s32 $0x1, v11;
	v24 =	vmin.u32 v15, $0x12  }
0x51: {  	v26 =	vld [tilespmem:s26+$0x30];
	v21 =	vcvt.s32.f32 v11;
	v15 =	vcvt.f32.s32 v19;
	v25 =	vadd.s32 $0x1, v24  }
0x52: {  	v27 =	vld [tilespmem:s26+$0x0];
	v17 =	vnsel vm7, $0x0, v17;
	v18 =	vmin.u32 v18, $0x12;
	v19 =	vcvt.s32.f32 v24  }
0x53: {  	v34 =	vld [tilespmem:s26+$0x10];
	v9 =	vsub.f32 v9, v21;
	v21 =	vcvt.f32.s32 v23;
	vm5 =	vgt.s32 v15, $0x0  }
0x54: {  	v23 =	vtrunc.f32 v14;
	v19 =	vsub.f32 v7, v19;
	v7 =	vnsel vm5, $0x0, v15;
	v15 =	vld [tilespmem:s26+$0xFFFFFFE0]  }
0x55: {  	v28 =	vmin.u32 v17, $0x12;
	v29 =	vcvt.s32.f32 v18;
	v23 =	vcvt.f32.s32 v23;
	v22 =	vld.idx.msk [tilespmem:v22+s17+$0x0], $0xffff  }
0x56: {  	vm4 =	vgt.s32 v20, $0x0;
	v30 =	vadd.s32 $0x1, v18;
	v33 =	vcvt.s32.f32 v28;
	v25 =	vld.idx.msk [tilespmem:v25+s17+$0x0], $0xffff  }
0x57: {  	v35 =	vadd.s32 $0x1, v28;
	v29 =	vsub.f32 v8, v29;
	v11 =	vld.idx.msk [tilespmem:v11+s16+$0x0], $0xffff;
	vm5 =	vgt.s32 v23, $0x0  }
0x58: {  	v17 =	vld [tilespmem:s26+$0xFFFFFFF0];
	v33 =	vsub.f32 v10, v33;
	v10 =	vmul.f32 $1.900000000e+01, v27;
	v23 =	vnsel vm5, $0x0, v23  }
0x59: {  	v32 =	vld [tilespmem:s26+$0xFFFFFFC0];
	v8 =	vmul.f32 $1.900000000e+01, v34;
	v23 =	vmin.u32 v23, $0x12;
	v57 =	vmul.f32 $1.900000000e+01, v15  }
0x5a: {  	vm5 =	vgt.s32 v21, $0x0;
	v9 =	vmul.f32 v9, v22;
	v22 =	vcvt.s32.f32 v23  }
0x5b: {  	v24 =	vld.idx.msk [tilespmem:v24+s16+$0x0], $0xffff;
	v31 =	vadd.s32 $0x1, v23;
	v41 =	vtrunc.f32 v57;
	v19 =	vmul.f32 v19, v25  }
0x5c: {  	v36 =	vadd.f32 v9, v11;
	v22 =	vsub.f32 v14, v22;
	v9 =	vmul.f32 $1.900000000e+01, v26  }
0x5d: {  	v26 =	vmin.u32 v7, $0x12;
	v7 =	vmul.f32 $1.900000000e+01, v17;
	v14 =	vnsel vm4, $0x0, v20  }
0x5e: {  	v11 =	vld [tilespmem:s26+$0xFFFFFFD0];
	v20 =	vmul.f32 $1.900000000e+01, v32;
	v17 =	vnsel vm5, $0x0, v21;
	v27 =	vadd.s32 $0x1, v26  }
0x5f: {  	v44 =	vld.idx.msk [tilespmem:v23+s16+$0x0], $0xffff;
	v21 =	vcvt.s32.f32 v26;
	v58 =	vmin.u32 v17, $0x12;
	v39 =	vmin.u32 v14, $0x12  }
0x60: {  	v14 =	vld.idx.msk [tilespmem:v18+s16+$0x0], $0xffff;
	v18 =	vcvt.f32.s32 v41;
	v23 =	vadd.f32 v19, v24;
	v15 =	vtrunc.f32 v20  }
0x61: {  	v31 =	vld.idx.msk [tilespmem:v31+s17+$0x0], $0xffff;
	v38 =	vcvt.s32.f32 v58;
	v17 =	vtrunc.f32 v9;
	v40 =	vadd.s32 $0x1, v39  }
0x62: {  	v30 =	vld.idx.msk [tilespmem:v30+s17+$0x0], $0xffff;
	v42 =	vadd.s32 $0x1, v58;
	v43 =	vcvt.s32.f32 v39;
	v61 =	vtrunc.f32 v7  }
0x63: {  	s29 =	simm.s32 $0x81C0;
	v21 =	vsub.f32 v12, v21;
	v12 =	vld.idx.msk [tilespmem:v35+s17+$0x0], $0xffff;
	v59 =	vcvt.f32.s32 v15;
	v15 =	vtrunc.f32 v10  }
0x64: {  	[tilespmem:s29+$0xFFFFFFE0] =	vst v23;
	v23 =	vcvt.f32.s32 v61;
	v38 =	vsub.f32 v13, v38;
	v13 =	vtrunc.f32 v8  }
0x65: {  	v37 =	vld [tilespmem:s26+$0x20];
	v60 =	vsub.f32 v16, v43;
	v11 =	vmul.f32 $1.900000000e+01, v11;
	vm4 =	vgt.s32 v59, $0x0  }
0x66: {  	v28 =	vld.idx.msk [tilespmem:v28+s16+$0x0], $0xffff;
	v47 =	vcvt.f32.s32 v13;
	v25 =	vnsel vm4, $0x0, v59;
	v31 =	vmul.f32 v22, v31  }
0x67: {  	v16 =	vld.idx.msk [tilespmem:v27+s17+$0x0], $0xffff;
	v27 =	vmul.f32 v29, v30;
	v62 =	vmin.u32 v25, $0x12;
	v46 =	vtrunc.f32 v11  }
0x68: {  	vm4 =	vgt.s32 v18, $0x0;
	v40 =	vld.idx.msk [tilespmem:v40+s17+$0x0], $0xffff;
	v33 =	vmul.f32 v33, v12;
	v12 =	vcvt.s32.f32 v62  }
0x69: {  	v18 =	vnsel vm4, $0x0, v18;
	v42 =	vld.idx.msk [tilespmem:v42+s17+$0x0], $0xffff;
	vm5 =	vgt.s32 v47, $0x0;
	v45 =	vadd.s32 $0x1, v62  }
0x6a: {  	v24 =	vld.idx.msk [tilespmem:v39+s16+$0x0], $0xffff;
	vm4 =	vgt.s32 v23, $0x0;
	v19 =	vsub.f32 v20, v12;
	v12 =	vmin.u32 v18, $0x12  }
0x6b: {  	v63 =	vadd.f32 v31, v44;
	v29 =	vnsel vm5, $0x0, v47;
	v18 =	vld.idx.msk [tilespmem:v26+s16+$0x0], $0xffff;
	v13 =	vcvt.s32.f32 v12  }
0x6c: {  	[tilespmem:s29+$0xFFFFFFC0] =	vst v36;
	v26 =	vadd.f32 v33, v28;
	v28 =	vld.idx.msk [tilespmem:v58+s16+$0x0], $0xffff;
	v25 =	vmul.f32 v21, v16;
	v16 =	vmul.f32 $1.900000000e+01, v37  }
0x6d: {  	s30 =	simm.s32 $0x8;
	s31 =	simm.s32 $0x8240;
	s25 =	sshll.u32 s24, $0xF;
	v20 =	vcvt.f32.s32 v46;
	[tilespmem:s29+$0x20] =	vst v63;
	v22 =	vadd.s32 $0x1, v12;
	v21 =	vld.idx.msk [tilespmem:v62+s16+$0x0], $0xffff;
	v30 =	vmul.f32 v60, v40  }
0x6e: {  	s3 =	simm.s32 $0x2C0;
	s28 =	simm.s32 $0x8240;
	s26 =	sor.u32 s5, s25;
	[tilespmem:s29+$0x0] =	vst v26;
	v31 =	vmul.f32 v38, v42;
	v13 =	vsub.f32 v57, v13;
	v32 =	vtrunc.f32 v16;
	v26 =	vld.idx.msk [tilespmem:v45+s17+$0x0], $0xffff  }
.LBB2_3:
0x6f: {  	v33 =	vld [tilespmem:s3+$0xFFFFFFE0];
	s30 =	sadd.s32 $0x8, s30;
	v32 =	vcvt.f32.s32 v32;
	v17 =	vcvt.f32.s32 v17;
	s31 =	sadd.s32 $0x80, s31;
	v14 =	vadd.f32 v27, v14  }
0x70: {  	v15 =	vcvt.f32.s32 v15;
	v24 =	vadd.f32 v30, v24;
	v18 =	vadd.f32 v25, v18;
	v27 =	vld [tilespmem:s3+$0xFFFFFFF0];
	p1 =	slt.u32 s30, $0x3F8  }
0x71: {  	v25 =	vadd.f32 v31, v28;
	vm5 =	vgt.s32 v32, $0x0;
	vm6 =	vgt.s32 v17, $0x0;
	[tilespmem:s29+$0x30] =	vst v14  }
0x72: {  	vm7 =	vgt.s32 v15, $0x0;
	v14 =	vld [tilespmem:s3+$0x0];
	v28 =	vnsel vm5, $0x0, v32;
	v17 =	vnsel vm6, $0x0, v17;
	[tilespmem:s29+$0xFFFFFFF0] =	vst v24  }
0x73: {  	v15 =	vnsel vm7, $0x0, v15;
	v24 =	vld [tilespmem:s3+$0x30];
	v28 =	vmin.u32 v28, $0x12;
	v17 =	vmin.u32 v17, $0x12;
	[tilespmem:s29+$0xFFFFFFD0] =	vst v25  }
0x74: {  	v25 =	vmin.u32 v15, $0x12;
	v30 =	vld [tilespmem:s3+$0x20];
	v15 =	vcvt.s32.f32 v17;
	v31 =	vadd.s32 $0x1, v17;
	[tilespmem:s29+$0x10] =	vst v18;
	s29 =	smov.u32 s28;
	s28 =	smov.u32 s31  }
0x75: {  	v19 =	vmul.f32 v19, v26;
	v26 =	vcvt.s32.f32 v28;
	v32 =	vadd.s32 $0x1, v28;
	v18 =	vld [tilespmem:s3+$0x10]  }
0x76: {  	v35 =	vcvt.s32.f32 v25;
	v36 =	vadd.s32 $0x1, v25;
	v34 =	vld [tilespmem:s3+$0xFFFFFFC0];
	v37 =	vsub.f32 v9, v15  }
0x77: {  	v15 =	vadd.f32 v19, v21;
	v16 =	vsub.f32 v16, v26;
	v19 =	vld.idx.msk [tilespmem:v22+s17+$0x0], $0xffff  }
0x78: {  	v22 =	vsub.f32 v10, v35;
	v21 =	vld [tilespmem:s3+$0xFFFFFFD0];
	v9 =	vmul.f32 $1.900000000e+01, v24;
	v24 =	vmin.u32 v29, $0x12  }
0x79: {  	v10 =	vmul.f32 $1.900000000e+01, v14;
	v26 =	vadd.s32 $0x1, v24;
	v29 =	vld.idx.msk [tilespmem:v31+s17+$0x0], $0xffff  }
0x7a: {  	vm5 =	vgt.s32 v20, $0x0;
	v27 =	vmul.f32 $1.900000000e+01, v27;
	[tilespmem:s29+$0xFFFFFFC0] =	vst v15;
	v15 =	vnsel vm4, $0x0, v23;
	v23 =	vld.idx.msk [tilespmem:v32+s17+$0x0], $0xffff  }
0x7b: {  	v14 =	vnsel vm5, $0x0, v20;
	v32 =	vcvt.s32.f32 v24;
	v31 =	vmul.f32 $1.900000000e+01, v34;
	v20 =	vld.idx.msk [tilespmem:v36+s17+$0x0], $0xffff  }
0x7c: {  	v33 =	vmul.f32 $1.900000000e+01, v33;
	v18 =	vmul.f32 $1.900000000e+01, v18;
	v34 =	vmin.u32 v14, $0x12  }
0x7d: {  	v36 =	vcvt.s32.f32 v34;
	v32 =	vsub.f32 v8, v32;
	v35 =	vtrunc.f32 v31;
	v14 =	vld.idx.msk [tilespmem:v17+s16+$0x0], $0xffff  }
0x7e: {  	v38 =	vmin.u32 v15, $0x12;
	v8 =	vmovc v18;
	v21 =	vmul.f32 $1.900000000e+01, v21;
	v35 =	vcvt.f32.s32 v35  }
0x7f: {  	v15 =	vtrunc.f32 v10;
	v39 =	vadd.s32 $0x1, v38;
	v17 =	vtrunc.f32 v9;
	v12 =	vld.idx.msk [tilespmem:v12+s16+$0x0], $0xffff  }
0x80: {  	v40 =	vtrunc.f32 v33;
	v41 =	vadd.s32 $0x1, v34;
	v42 =	vcvt.s32.f32 v38;
	v26 =	vld.idx.msk [tilespmem:v26+s17+$0x0], $0xffff  }
0x81: {  	v13 =	vmul.f32 v13, v19;
	v43 =	vtrunc.f32 v8;
	v36 =	vsub.f32 v11, v36;
	v11 =	vmovc v21;
	v18 =	vld.idx.msk [tilespmem:v24+s16+$0x0], $0xffff  }
0x82: {  	v19 =	vcvt.f32.s32 v40;
	v40 =	vsub.f32 v7, v42;
	v7 =	vmovc v27;
	vm4 =	vgt.s32 v35, $0x0;
	v42 =	vld.idx.msk [tilespmem:v28+s16+$0x0], $0xffff  }
0x83: {  	v45 =	vmul.f32 v22, v20;
	v21 =	vnsel vm4, $0x0, v35;
	v35 =	vtrunc.f32 v7;
	v44 =	vld.idx.msk [tilespmem:v25+s16+$0x0], $0xffff  }
0x84: {  	v46 =	vmul.f32 v16, v23;
	vm4 =	vgt.s32 v19, $0x0;
	v20 =	vmin.u32 v21, $0x12;
	v39 =	vld.idx.msk [tilespmem:v39+s17+$0x0], $0xffff  }
0x85: {  	v16 =	vcvt.s32.f32 v20;
	v23 =	vadd.s32 $0x1, v20;
	v13 =	vadd.f32 v13, v12;
	v41 =	vld.idx.msk [tilespmem:v41+s17+$0x0], $0xffff  }
0x86: {  	v43 =	vcvt.f32.s32 v43;
	v47 =	vtrunc.f32 v11;
	v12 =	vnsel vm4, $0x0, v19;
	v24 =	vld.idx.msk [tilespmem:v38+s16+$0x0], $0xffff  }
0x87: {  	v27 =	vmul.f32 v37, v29;
	v19 =	vsub.f32 v31, v16;
	v12 =	vmin.u32 v12, $0x12;
	[tilespmem:s29+$0xFFFFFFE0] =	vst v13  }
.Ltmp0:
0x88: {  	v25 =	vmul.f32 v32, v26;
	v22 =	vadd.s32 $0x1, v12;
	v13 =	vcvt.s32.f32 v12;
	v28 =	vld.idx.msk [tilespmem:v34+s16+$0x0], $0xffff;
	(pc) =	sbr.rel @p1 .LBB2_3-.Ltmp0, $4  }
0x89: {  	v16 =	vmul.f32 $1.900000000e+01, v30;
	v29 =	vadd.f32 v45, v44;
	v21 =	vld.idx.msk [tilespmem:v20+s16+$0x0], $0xffff;
	v20 =	vcvt.f32.s32 v47  }
0x8a: {  	vm5 =	vgt.s32 v43, $0x0;
	v34 =	vadd.f32 v46, v42;
	v26 =	vld.idx.msk [tilespmem:v23+s17+$0x0], $0xffff;
	v23 =	vcvt.f32.s32 v35  }
0x8b: {  	v32 =	vtrunc.f32 v16;
	v13 =	vsub.f32 v33, v13;
	v30 =	vmul.f32 v40, v39;
	[tilespmem:s29+$0x0] =	vst v29  }
0x8c: {  	s3 =	sadd.s32 $0x80, s3;
	v31 =	vmul.f32 v36, v41;
	v29 =	vnsel vm5, $0x0, v43;
	vm4 =	vgt.s32 v23, $0x0;
	[tilespmem:s29+$0x20] =	vst v34  }
0x8d: {  	_ = 	snop  }
0x8e: {  	v17 =	vcvt.f32.s32 v17;
	v29 =	vmin.u32 v29, $0x12  }
0x8f: {  	v32 =	vcvt.f32.s32 v32;
	v23 =	vnsel vm4, $0x0, v23;
	v36 =	vadd.s32 $0x1, v29  }
0x90: {  	v15 =	vcvt.f32.s32 v15;
	v23 =	vmin.u32 v23, $0x12;
	vm5 =	vgt.s32 v17, $0x0  }
0x91: {  	v22 =	vld.idx.msk [tilespmem:v22+s17+$0x0], $0xffff;
	vm6 =	vgt.s32 v32, $0x0;
	v38 =	vadd.s32 $0x1, v23;
	v17 =	vnsel vm5, $0x0, v17  }
0x92: {  	v12 =	vld.idx.msk [tilespmem:v12+s16+$0x0], $0xffff;
	v32 =	vnsel vm6, $0x0, v32;
	v17 =	vmin.u32 v17, $0x12  }
0x93: {  	vm5 =	vgt.s32 v15, $0x0;
	v32 =	vmin.u32 v32, $0x12;
	v61 =	vld.idx.msk [tilespmem:v29+s16+$0x0], $0xffff  }
0x94: {  	v15 =	vnsel vm5, $0x0, v15;
	v33 =	vadd.s32 $0x1, v17;
	v50 =	vld.idx.msk [tilespmem:v36+s17+$0x0], $0xffff  }
0x95: {  	vm5 =	vgt.s32 v20, $0x0;
	v15 =	vmin.u32 v15, $0x12;
	v34 =	vadd.s32 $0x1, v32;
	v59 =	vld.idx.msk [tilespmem:v23+s16+$0x0], $0xffff  }
0x96: {  	v20 =	vnsel vm5, $0x0, v20;
	v35 =	vadd.s32 $0x1, v15;
	v55 =	vld.idx.msk [tilespmem:v38+s17+$0x0], $0xffff  }
0x97: {  	v20 =	vmin.u32 v20, $0x12;
	v37 =	vld.idx.msk [tilespmem:v17+s16+$0x0], $0xffff  }
0x98: {  	v14 =	vadd.f32 v27, v14;
	v54 =	vcvt.s32.f32 v29;
	v49 =	vadd.s32 $0x1, v20;
	v52 =	vld.idx.msk [tilespmem:v32+s16+$0x0], $0xffff  }
0x99: {  	v24 =	vadd.f32 v30, v24;
	v18 =	vadd.f32 v25, v18;
	v19 =	vmul.f32 v19, v26;
	v33 =	vld.idx.msk [tilespmem:v33+s17+$0x0], $0xffff  }
0x9a: {  	v28 =	vadd.f32 v31, v28;
	[tilespmem:s29+$0x30] =	vst v14;
	v56 =	vcvt.s32.f32 v23;
	v8 =	vsub.f32 v8, v54;
	v34 =	vld.idx.msk [tilespmem:v34+s17+$0x0], $0xffff  }
0x9b: {  	[tilespmem:s29+$0xFFFFFFF0] =	vst v24;
	v19 =	vadd.f32 v19, v21;
	v53 =	vcvt.s32.f32 v32;
	v13 =	vmul.f32 v13, v22;
	v35 =	vld.idx.msk [tilespmem:v35+s17+$0x0], $0xffff  }
0x9c: {  	[tilespmem:s29+$0x10] =	vst v18;
	v7 =	vsub.f32 v7, v56;
	v51 =	vcvt.s32.f32 v15;
	v58 =	vcvt.s32.f32 v20;
	v15 =	vld.idx.msk [tilespmem:v15+s16+$0x0], $0xffff  }
0x9d: {  	[tilespmem:s29+$0xFFFFFFD0] =	vst v28;
	v16 =	vsub.f32 v16, v53;
	v17 =	vcvt.s32.f32 v17;
	v8 =	vmul.f32 v8, v50;
	v57 =	vld.idx.msk [tilespmem:v49+s17+$0x0], $0xffff  }
0x9e: {  	[tilespmem:s28+$0xFFFFFFC0] =	vst v19;
	v12 =	vadd.f32 v13, v12;
	v10 =	vsub.f32 v10, v51;
	v7 =	vmul.f32 v7, v55  }
0x9f: {  	v9 =	vsub.f32 v9, v17;
	v60 =	vld.idx.msk [tilespmem:v20+s16+$0x0], $0xffff;
	v8 =	vadd.f32 v8, v61;
	v16 =	vmul.f32 v16, v34  }
0xa0: {  	v11 =	vsub.f32 v11, v58;
	[tilespmem:s28+$0xFFFFFFE0] =	vst v12;
	v7 =	vadd.f32 v7, v59;
	v10 =	vmul.f32 v10, v35  }
0xa1: {  	v9 =	vmul.f32 v9, v33;
	[tilespmem:s28+$0x10] =	vst v8;
	v62 =	vadd.f32 v16, v52  }
0xa2: {  	p1 =	sne.s32 s24, $0x1F;
	[tilespmem:s28+$0xFFFFFFF0] =	vst v7;
	v63 =	vmul.f32 v11, v57;
	v10 =	vadd.f32 v10, v15  }
.Ltmp1:
0xa3: {  	v9 =	vadd.f32 v9, v37;
	[tilespmem:s28+$0x20] =	vst v62;
	(pc) =	sbr.rel @p1 .LBB2_6-.Ltmp1, $4  }
0xa4: {  	[tilespmem:s28+$0x0] =	vst v10;
	v10 =	vadd.f32 v63, v60  }
0xa5: {  	s26 =	sshrl.u32 s26, $0x3;
	[tilespmem:s28+$0x30] =	vst v9  }
0xa6: {  	s0 =	sadd.s32 s4, s26;
	[tilespmem:s28+$0xFFFFFFD0] =	vst v10  }
0xa7: {  	[hbm4b:s0+s6] =	stream.linear.scatter [tilespmem:s18], [sflag:$0x3], $0x4000, $0x38;
	[tilespmem:$0x10180] =	vst v63  }
.Ltmp2:
0xa8: {  	(pc) =	sbr.rel .LBB2_7-.Ltmp2, $4  }
0xa9: {  	_ = 	snop  }
0xaa: {  	_ =	swait.ge [sflag:s19], $0x4000  }
0xab: {  	[sflag:s19] =	ssyncset.done $0x0  }
0xac: {  	[sflag:s19] =	ssyncadd.s32 $0xFFFFC000  }
.LBB2_6:
0xad: {  	s0 =	sadd.s32 s25, s9  }
0xae: {  	s0 =	sshrl.u32 s0, $0x3  }
.Ltmp3:
0xaf: {  	s0 =	sadd.s32 s1, s0;
	(pc) =	sbr.rel @p0 .LBB2_8-.Ltmp3, $4  }
0xb0: {  	[tilespmem:s12], [sflag:$0x1] =	stream.linear.gather [hbm4b:s0+s6], $0x4000, $0x38;
	[tilespmem:$0x10180] =	vst v63  }
0xb1: {  	_ =	swait.ge [sflag:s19], $0x4000  }
0xb2: {  	[sflag:s19] =	ssyncset.done $0x0  }
0xb3: {  	[sflag:s19] =	ssyncadd.s32 $0xFFFFC000  }
.LBB2_7:
0xb4: {  	_ =	swait.ge [sflag:s20], $0x4000  }
0xb5: {  	[sflag:s20] =	ssyncset.done $0x0  }
0xb6: {  	[sflag:s20] =	ssyncadd.s32 $0xFFFFC000  }
.LBB2_8:
0xb7: {  	s0 =	simm.s32 $0x41C0  }
0xb8: {  	v7 =	vld [tilespmem:s0+$0xFFFFFFF0]  }
0xb9: {  	v8 =	vld [tilespmem:s0+$0x30]  }
0xba: {  	v9 =	vld [tilespmem:s0+$0xFFFFFFC0]  }
0xbb: {  	v10 =	vld [tilespmem:s0+$0x0]  }
0xbc: {  	v11 =	vld [tilespmem:s0+$0xFFFFFFE0]  }
0xbd: {  	v12 =	vld [tilespmem:s0+$0x10]  }
0xbe: {  	v13 =	vld [tilespmem:s0+$0xFFFFFFD0]  }
0xbf: {  	v14 =	vld [tilespmem:s0+$0x20];
	_ =	sdelay $0x1  }
0xc0: {  	v8 =	vmul.f32 $1.900000000e+01, v8;
	v9 =	vmul.f32 $1.900000000e+01, v9  }
0xc1: {  	v10 =	vmul.f32 $1.900000000e+01, v10;
	v16 =	vmul.f32 $1.900000000e+01, v7  }
0xc2: {  	v7 =	vmul.f32 $1.900000000e+01, v11;
	v12 =	vmul.f32 $1.900000000e+01, v12  }
0xc3: {  	v13 =	vmul.f32 $1.900000000e+01, v13;
	v14 =	vmul.f32 $1.900000000e+01, v14  }
0xc4: {  	v11 =	vtrunc.f32 v9;
	v15 =	vtrunc.f32 v7  }
0xc5: {  	v17 =	vtrunc.f32 v10;
	v18 =	vtrunc.f32 v8  }
0xc6: {  	v19 =	vtrunc.f32 v12;
	v20 =	vtrunc.f32 v16  }
0xc7: {  	v23 =	vtrunc.f32 v13;
	v11 =	vcvt.f32.s32 v11  }
0xc8: {  	v15 =	vcvt.f32.s32 v15;
	v18 =	vcvt.f32.s32 v18  }
0xc9: {  	v20 =	vcvt.f32.s32 v20;
	v17 =	vcvt.f32.s32 v17;
	vm4 =	vgt.s32 v11, $0x0  }
0xca: {  	vm6 =	vgt.s32 v18, $0x0;
	v11 =	vnsel vm4, $0x0, v11;
	vm4 =	vgt.s32 v15, $0x0  }
0xcb: {  	vm7 =	vgt.s32 v17, $0x0;
	v11 =	vmin.u32 v11, $0x12;
	v15 =	vnsel vm4, $0x0, v15  }
0xcc: {  	s3 =	simm.s32 $0x4240;
	v18 =	vnsel vm6, $0x0, v18;
	v22 =	vadd.s32 $0x1, v11;
	v24 =	vmin.u32 v15, $0x12  }
0xcd: {  	v26 =	vld [tilespmem:s3+$0x30];
	v21 =	vcvt.s32.f32 v11;
	v15 =	vcvt.f32.s32 v19;
	v25 =	vadd.s32 $0x1, v24  }
0xce: {  	v27 =	vld [tilespmem:s3+$0x0];
	v17 =	vnsel vm7, $0x0, v17;
	v18 =	vmin.u32 v18, $0x12;
	v19 =	vcvt.s32.f32 v24  }
0xcf: {  	v34 =	vld [tilespmem:s3+$0x10];
	v9 =	vsub.f32 v9, v21;
	v21 =	vcvt.f32.s32 v23;
	vm5 =	vgt.s32 v15, $0x0  }
0xd0: {  	v23 =	vtrunc.f32 v14;
	v19 =	vsub.f32 v7, v19;
	v7 =	vnsel vm5, $0x0, v15;
	v15 =	vld [tilespmem:s3+$0xFFFFFFE0]  }
0xd1: {  	v28 =	vmin.u32 v17, $0x12;
	v29 =	vcvt.s32.f32 v18;
	v23 =	vcvt.f32.s32 v23;
	v22 =	vld.idx.msk [tilespmem:v22+s17+$0x0], $0xffff  }
0xd2: {  	vm4 =	vgt.s32 v20, $0x0;
	v30 =	vadd.s32 $0x1, v18;
	v33 =	vcvt.s32.f32 v28;
	v25 =	vld.idx.msk [tilespmem:v25+s17+$0x0], $0xffff  }
0xd3: {  	v35 =	vadd.s32 $0x1, v28;
	v29 =	vsub.f32 v8, v29;
	v11 =	vld.idx.msk [tilespmem:v11+s16+$0x0], $0xffff;
	vm5 =	vgt.s32 v23, $0x0  }
0xd4: {  	v17 =	vld [tilespmem:s3+$0xFFFFFFF0];
	v33 =	vsub.f32 v10, v33;
	v10 =	vmul.f32 $1.900000000e+01, v27;
	v23 =	vnsel vm5, $0x0, v23  }
0xd5: {  	v32 =	vld [tilespmem:s3+$0xFFFFFFC0];
	v8 =	vmul.f32 $1.900000000e+01, v34;
	v23 =	vmin.u32 v23, $0x12;
	v57 =	vmul.f32 $1.900000000e+01, v15  }
0xd6: {  	vm5 =	vgt.s32 v21, $0x0;
	v9 =	vmul.f32 v9, v22;
	v22 =	vcvt.s32.f32 v23  }
0xd7: {  	v31 =	vadd.s32 $0x1, v23;
	v41 =	vtrunc.f32 v57;
	v19 =	vmul.f32 v19, v25  }
0xd8: {  	v36 =	vadd.f32 v9, v11;
	v22 =	vsub.f32 v14, v22;
	v9 =	vmul.f32 $1.900000000e+01, v26  }
0xd9: {  	v26 =	vmin.u32 v7, $0x12;
	v7 =	vmul.f32 $1.900000000e+01, v17;
	v14 =	vnsel vm4, $0x0, v20  }
0xda: {  	v24 =	vld.idx.msk [tilespmem:v24+s16+$0x0], $0xffff;
	v20 =	vmul.f32 $1.900000000e+01, v32;
	v17 =	vnsel vm5, $0x0, v21;
	v21 =	vcvt.s32.f32 v26  }
0xdb: {  	v58 =	vmin.u32 v17, $0x12;
	v39 =	vmin.u32 v14, $0x12;
	v14 =	vld.idx.msk [tilespmem:v18+s16+$0x0], $0xffff;
	v18 =	vcvt.f32.s32 v41  }
0xdc: {  	v11 =	vld [tilespmem:s3+$0xFFFFFFD0];
	v27 =	vadd.s32 $0x1, v26;
	v15 =	vtrunc.f32 v20;
	v38 =	vcvt.s32.f32 v58  }
0xdd: {  	v31 =	vld.idx.msk [tilespmem:v31+s17+$0x0], $0xffff;
	v17 =	vtrunc.f32 v9;
	v40 =	vadd.s32 $0x1, v39;
	v43 =	vcvt.s32.f32 v39  }
0xde: {  	v30 =	vld.idx.msk [tilespmem:v30+s17+$0x0], $0xffff;
	v42 =	vadd.s32 $0x1, v58;
	v61 =	vtrunc.f32 v7;
	v59 =	vcvt.f32.s32 v15  }
0xdf: {  	v21 =	vsub.f32 v12, v21;
	v12 =	vld.idx.msk [tilespmem:v35+s17+$0x0], $0xffff;
	v15 =	vtrunc.f32 v10;
	v38 =	vsub.f32 v13, v38  }
0xe0: {  	v37 =	vld [tilespmem:s3+$0x20];
	v13 =	vtrunc.f32 v8;
	v60 =	vsub.f32 v16, v43;
	vm4 =	vgt.s32 v59, $0x0  }
0xe1: {  	v44 =	vld.idx.msk [tilespmem:v23+s16+$0x0], $0xffff;
	v11 =	vmul.f32 $1.900000000e+01, v11;
	v47 =	vcvt.f32.s32 v13;
	v25 =	vnsel vm4, $0x0, v59  }
0xe2: {  	v28 =	vld.idx.msk [tilespmem:v28+s16+$0x0], $0xffff;
	vm4 =	vgt.s32 v18, $0x0;
	v31 =	vmul.f32 v22, v31;
	v22 =	vadd.f32 v19, v24  }
0xe3: {  	v16 =	vld.idx.msk [tilespmem:v27+s17+$0x0], $0xffff;
	v27 =	vmul.f32 v29, v30;
	v62 =	vmin.u32 v25, $0x12;
	v46 =	vtrunc.f32 v11  }
0xe4: {  	s30 =	simm.s32 $0xC1C0;
	v40 =	vld.idx.msk [tilespmem:v40+s17+$0x0], $0xffff;
	v18 =	vnsel vm4, $0x0, v18;
	v33 =	vmul.f32 v33, v12;
	v12 =	vcvt.s32.f32 v62  }
0xe5: {  	v42 =	vld.idx.msk [tilespmem:v42+s17+$0x0], $0xffff;
	vm5 =	vgt.s32 v47, $0x0;
	v45 =	vadd.s32 $0x1, v62;
	[tilespmem:s30+$0xFFFFFFE0] =	vst v22;
	v22 =	vcvt.f32.s32 v61  }
0xe6: {  	v24 =	vld.idx.msk [tilespmem:v39+s16+$0x0], $0xffff;
	v63 =	vadd.f32 v31, v44;
	v19 =	vsub.f32 v20, v12;
	v12 =	vmin.u32 v18, $0x12  }
0xe7: {  	v29 =	vnsel vm5, $0x0, v47;
	v18 =	vld.idx.msk [tilespmem:v26+s16+$0x0], $0xffff;
	v20 =	vcvt.f32.s32 v46;
	v13 =	vcvt.s32.f32 v12  }
0xe8: {  	[tilespmem:s30+$0xFFFFFFC0] =	vst v36;
	v26 =	vadd.f32 v33, v28;
	v28 =	vld.idx.msk [tilespmem:v58+s16+$0x0], $0xffff;
	v25 =	vmul.f32 v21, v16;
	v16 =	vmul.f32 $1.900000000e+01, v37  }
0xe9: {  	s28 =	sadd.s32 $0x1, s24;
	s31 =	simm.s32 $0x8;
	vm4 =	vgt.s32 v22, $0x0;
	[tilespmem:s30+$0x20] =	vst v63;
	v23 =	vadd.s32 $0x1, v12;
	v21 =	vld.idx.msk [tilespmem:v62+s16+$0x0], $0xffff;
	v30 =	vmul.f32 v60, v40  }
0xea: {  	s29 =	simm.s32 $0xC240;
	s0 =	simm.s32 $0x42C0;
	s3 =	simm.s32 $0xC240;
	[tilespmem:s30+$0x0] =	vst v26;
	v31 =	vmul.f32 v38, v42;
	v13 =	vsub.f32 v57, v13;
	v32 =	vtrunc.f32 v16;
	v26 =	vld.idx.msk [tilespmem:v45+s17+$0x0], $0xffff  }
.LBB2_9:
0xeb: {  	v33 =	vld [tilespmem:s0+$0xFFFFFFE0];
	s31 =	sadd.s32 $0x8, s31;
	v32 =	vcvt.f32.s32 v32;
	v17 =	vcvt.f32.s32 v17;
	s3 =	sadd.s32 $0x80, s3;
	v14 =	vadd.f32 v27, v14  }
0xec: {  	v15 =	vcvt.f32.s32 v15;
	v24 =	vadd.f32 v30, v24;
	v18 =	vadd.f32 v25, v18;
	v27 =	vld [tilespmem:s0+$0xFFFFFFF0];
	p0 =	slt.u32 s31, $0x3F8  }
0xed: {  	v25 =	vadd.f32 v31, v28;
	vm5 =	vgt.s32 v32, $0x0;
	vm6 =	vgt.s32 v17, $0x0;
	[tilespmem:s30+$0x30] =	vst v14  }
0xee: {  	vm7 =	vgt.s32 v15, $0x0;
	v14 =	vld [tilespmem:s0+$0x0];
	v28 =	vnsel vm5, $0x0, v32;
	v17 =	vnsel vm6, $0x0, v17;
	[tilespmem:s30+$0xFFFFFFF0] =	vst v24  }
0xef: {  	v15 =	vnsel vm7, $0x0, v15;
	v24 =	vld [tilespmem:s0+$0x30];
	v28 =	vmin.u32 v28, $0x12;
	v17 =	vmin.u32 v17, $0x12;
	[tilespmem:s30+$0xFFFFFFD0] =	vst v25  }
0xf0: {  	v25 =	vmin.u32 v15, $0x12;
	v30 =	vld [tilespmem:s0+$0x20];
	v15 =	vcvt.s32.f32 v17;
	v31 =	vadd.s32 $0x1, v17;
	[tilespmem:s30+$0x10] =	vst v18;
	s30 =	smov.u32 s29;
	s29 =	smov.u32 s3  }
0xf1: {  	v19 =	vmul.f32 v19, v26;
	v26 =	vcvt.s32.f32 v28;
	v32 =	vadd.s32 $0x1, v28;
	v18 =	vld [tilespmem:s0+$0x10]  }
0xf2: {  	v35 =	vcvt.s32.f32 v25;
	v36 =	vadd.s32 $0x1, v25;
	v34 =	vld [tilespmem:s0+$0xFFFFFFC0];
	v37 =	vsub.f32 v9, v15  }
0xf3: {  	v15 =	vadd.f32 v19, v21;
	v16 =	vsub.f32 v16, v26;
	v19 =	vld.idx.msk [tilespmem:v23+s17+$0x0], $0xffff  }
0xf4: {  	v23 =	vsub.f32 v10, v35;
	v21 =	vld [tilespmem:s0+$0xFFFFFFD0];
	v9 =	vmul.f32 $1.900000000e+01, v24;
	v24 =	vmin.u32 v29, $0x12  }
0xf5: {  	v10 =	vmul.f32 $1.900000000e+01, v14;
	v26 =	vadd.s32 $0x1, v24;
	v29 =	vld.idx.msk [tilespmem:v31+s17+$0x0], $0xffff  }
0xf6: {  	vm5 =	vgt.s32 v20, $0x0;
	v27 =	vmul.f32 $1.900000000e+01, v27;
	[tilespmem:s30+$0xFFFFFFC0] =	vst v15;
	v15 =	vnsel vm4, $0x0, v22;
	v22 =	vld.idx.msk [tilespmem:v32+s17+$0x0], $0xffff  }
0xf7: {  	v14 =	vnsel vm5, $0x0, v20;
	v32 =	vcvt.s32.f32 v24;
	v31 =	vmul.f32 $1.900000000e+01, v34;
	v20 =	vld.idx.msk [tilespmem:v36+s17+$0x0], $0xffff  }
0xf8: {  	v33 =	vmul.f32 $1.900000000e+01, v33;
	v18 =	vmul.f32 $1.900000000e+01, v18;
	v34 =	vmin.u32 v14, $0x12  }
0xf9: {  	v36 =	vcvt.s32.f32 v34;
	v32 =	vsub.f32 v8, v32;
	v35 =	vtrunc.f32 v31;
	v14 =	vld.idx.msk [tilespmem:v17+s16+$0x0], $0xffff  }
0xfa: {  	v38 =	vmin.u32 v15, $0x12;
	v8 =	vmovc v18;
	v21 =	vmul.f32 $1.900000000e+01, v21;
	v35 =	vcvt.f32.s32 v35  }
0xfb: {  	v15 =	vtrunc.f32 v10;
	v39 =	vadd.s32 $0x1, v38;
	v17 =	vtrunc.f32 v9;
	v12 =	vld.idx.msk [tilespmem:v12+s16+$0x0], $0xffff  }
0xfc: {  	v40 =	vtrunc.f32 v33;
	v41 =	vadd.s32 $0x1, v34;
	v42 =	vcvt.s32.f32 v38;
	v26 =	vld.idx.msk [tilespmem:v26+s17+$0x0], $0xffff  }
0xfd: {  	v13 =	vmul.f32 v13, v19;
	v43 =	vtrunc.f32 v8;
	v36 =	vsub.f32 v11, v36;
	v11 =	vmovc v21;
	v18 =	vld.idx.msk [tilespmem:v24+s16+$0x0], $0xffff  }
0xfe: {  	v19 =	vcvt.f32.s32 v40;
	v40 =	vsub.f32 v7, v42;
	v7 =	vmovc v27;
	vm4 =	vgt.s32 v35, $0x0;
	v42 =	vld.idx.msk [tilespmem:v28+s16+$0x0], $0xffff  }
0xff: {  	v45 =	vmul.f32 v23, v20;
	v21 =	vnsel vm4, $0x0, v35;
	v35 =	vtrunc.f32 v7;
	v44 =	vld.idx.msk [tilespmem:v25+s16+$0x0], $0xffff  }
0x100: {  	v46 =	vmul.f32 v16, v22;
	vm4 =	vgt.s32 v19, $0x0;
	v20 =	vmin.u32 v21, $0x12;
	v39 =	vld.idx.msk [tilespmem:v39+s17+$0x0], $0xffff  }
0x101: {  	v16 =	vcvt.s32.f32 v20;
	v22 =	vadd.s32 $0x1, v20;
	v13 =	vadd.f32 v13, v12;
	v41 =	vld.idx.msk [tilespmem:v41+s17+$0x0], $0xffff  }
0x102: {  	v43 =	vcvt.f32.s32 v43;
	v47 =	vtrunc.f32 v11;
	v12 =	vnsel vm4, $0x0, v19;
	v24 =	vld.idx.msk [tilespmem:v38+s16+$0x0], $0xffff  }
0x103: {  	v27 =	vmul.f32 v37, v29;
	v19 =	vsub.f32 v31, v16;
	v12 =	vmin.u32 v12, $0x12;
	[tilespmem:s30+$0xFFFFFFE0] =	vst v13  }
.Ltmp4:
0x104: {  	v25 =	vmul.f32 v32, v26;
	v23 =	vadd.s32 $0x1, v12;
	v13 =	vcvt.s32.f32 v12;
	v28 =	vld.idx.msk [tilespmem:v34+s16+$0x0], $0xffff;
	(pc) =	sbr.rel @p0 .LBB2_9-.Ltmp4, $4  }
0x105: {  	v16 =	vmul.f32 $1.900000000e+01, v30;
	v29 =	vadd.f32 v45, v44;
	v21 =	vld.idx.msk [tilespmem:v20+s16+$0x0], $0xffff;
	v20 =	vcvt.f32.s32 v47  }
0x106: {  	vm5 =	vgt.s32 v43, $0x0;
	v34 =	vadd.f32 v46, v42;
	v26 =	vld.idx.msk [tilespmem:v22+s17+$0x0], $0xffff;
	v22 =	vcvt.f32.s32 v35  }
0x107: {  	v32 =	vtrunc.f32 v16;
	v13 =	vsub.f32 v33, v13;
	v30 =	vmul.f32 v40, v39;
	[tilespmem:s30+$0x0] =	vst v29  }
0x108: {  	s0 =	sadd.s32 $0x80, s0;
	v31 =	vmul.f32 v36, v41;
	v29 =	vnsel vm5, $0x0, v43;
	vm4 =	vgt.s32 v22, $0x0;
	[tilespmem:s30+$0x20] =	vst v34  }
0x109: {  	_ = 	snop  }
0x10a: {  	v17 =	vcvt.f32.s32 v17;
	v29 =	vmin.u32 v29, $0x12  }
0x10b: {  	v32 =	vcvt.f32.s32 v32;
	v22 =	vnsel vm4, $0x0, v22;
	v36 =	vadd.s32 $0x1, v29  }
0x10c: {  	v15 =	vcvt.f32.s32 v15;
	v22 =	vmin.u32 v22, $0x12;
	vm5 =	vgt.s32 v17, $0x0  }
0x10d: {  	v23 =	vld.idx.msk [tilespmem:v23+s17+$0x0], $0xffff;
	vm6 =	vgt.s32 v32, $0x0;
	v38 =	vadd.s32 $0x1, v22;
	v17 =	vnsel vm5, $0x0, v17  }
0x10e: {  	v12 =	vld.idx.msk [tilespmem:v12+s16+$0x0], $0xffff;
	v32 =	vnsel vm6, $0x0, v32;
	v17 =	vmin.u32 v17, $0x12  }
0x10f: {  	vm5 =	vgt.s32 v15, $0x0;
	v32 =	vmin.u32 v32, $0x12;
	v61 =	vld.idx.msk [tilespmem:v29+s16+$0x0], $0xffff  }
0x110: {  	v15 =	vnsel vm5, $0x0, v15;
	v33 =	vadd.s32 $0x1, v17;
	v50 =	vld.idx.msk [tilespmem:v36+s17+$0x0], $0xffff  }
0x111: {  	vm5 =	vgt.s32 v20, $0x0;
	v15 =	vmin.u32 v15, $0x12;
	v34 =	vadd.s32 $0x1, v32;
	v59 =	vld.idx.msk [tilespmem:v22+s16+$0x0], $0xffff  }
0x112: {  	v20 =	vnsel vm5, $0x0, v20;
	v35 =	vadd.s32 $0x1, v15;
	v55 =	vld.idx.msk [tilespmem:v38+s17+$0x0], $0xffff  }
0x113: {  	v20 =	vmin.u32 v20, $0x12;
	v37 =	vld.idx.msk [tilespmem:v17+s16+$0x0], $0xffff  }
0x114: {  	v14 =	vadd.f32 v27, v14;
	v54 =	vcvt.s32.f32 v29;
	v49 =	vadd.s32 $0x1, v20;
	v52 =	vld.idx.msk [tilespmem:v32+s16+$0x0], $0xffff  }
0x115: {  	v24 =	vadd.f32 v30, v24;
	v18 =	vadd.f32 v25, v18;
	v19 =	vmul.f32 v19, v26;
	v33 =	vld.idx.msk [tilespmem:v33+s17+$0x0], $0xffff  }
0x116: {  	v28 =	vadd.f32 v31, v28;
	[tilespmem:s30+$0x30] =	vst v14;
	v56 =	vcvt.s32.f32 v22;
	v8 =	vsub.f32 v8, v54;
	v34 =	vld.idx.msk [tilespmem:v34+s17+$0x0], $0xffff  }
0x117: {  	[tilespmem:s30+$0xFFFFFFF0] =	vst v24;
	v19 =	vadd.f32 v19, v21;
	v53 =	vcvt.s32.f32 v32;
	v13 =	vmul.f32 v13, v23;
	v35 =	vld.idx.msk [tilespmem:v35+s17+$0x0], $0xffff  }
0x118: {  	[tilespmem:s30+$0x10] =	vst v18;
	v7 =	vsub.f32 v7, v56;
	v51 =	vcvt.s32.f32 v15;
	v58 =	vcvt.s32.f32 v20;
	v15 =	vld.idx.msk [tilespmem:v15+s16+$0x0], $0xffff  }
0x119: {  	[tilespmem:s30+$0xFFFFFFD0] =	vst v28;
	v16 =	vsub.f32 v16, v53;
	v17 =	vcvt.s32.f32 v17;
	v8 =	vmul.f32 v8, v50;
	v57 =	vld.idx.msk [tilespmem:v49+s17+$0x0], $0xffff  }
0x11a: {  	[tilespmem:s29+$0xFFFFFFC0] =	vst v19;
	v12 =	vadd.f32 v13, v12;
	v10 =	vsub.f32 v10, v51;
	v7 =	vmul.f32 v7, v55  }
0x11b: {  	v9 =	vsub.f32 v9, v17;
	v60 =	vld.idx.msk [tilespmem:v20+s16+$0x0], $0xffff;
	v8 =	vadd.f32 v8, v61;
	v16 =	vmul.f32 v16, v34  }
0x11c: {  	v11 =	vsub.f32 v11, v58;
	[tilespmem:s29+$0xFFFFFFE0] =	vst v12;
	v7 =	vadd.f32 v7, v59;
	v10 =	vmul.f32 v10, v35  }
0x11d: {  	v9 =	vmul.f32 v9, v33;
	[tilespmem:s29+$0x10] =	vst v8;
	v62 =	vadd.f32 v16, v52  }
0x11e: {  	[tilespmem:s29+$0xFFFFFFF0] =	vst v7;
	v63 =	vmul.f32 v11, v57;
	v10 =	vadd.f32 v10, v15  }
0x11f: {  	v9 =	vadd.f32 v9, v37;
	[tilespmem:s29+$0x20] =	vst v62  }
0x120: {  	[tilespmem:s29+$0x0] =	vst v10;
	v10 =	vadd.f32 v63, v60  }
0x121: {  	s0 =	sadd.s32 s26, s4;
	[tilespmem:s29+$0x30] =	vst v9  }
0x122: {  	p0 =	seq.s32 s24, $0x1F;
	s0 =	sadd.s32 $0x800, s0;
	[tilespmem:s29+$0xFFFFFFD0] =	vst v10  }
0x123: {  	[hbm4b:s0+s6] =	stream.linear.scatter [tilespmem:s21], [sflag:$0x4], $0x4000, $0x38;
	[tilespmem:$0x10180] =	vst v63  }
0x124: {  	s0 =	sadd.s32 @!p0 s25, s10  }
0x125: {  	s3 =	simm.s32 @!p0 $0x0;
	s0 =	sshrl.u32 @!p0 s0, $0x3  }
0x126: {  	s24 =	simm.s32 @!p0 $0x4180;
	p1 =	sne.s32 @!p0 s28, $0x20;
	s0 =	sadd.s32 @!p0 s1, s0  }
0x127: {  	[tilespmem:s24], [sflag:$0x2] =	stream.linear.gather @!p0 [hbm4b:s0+s3], $0x4000, $0x38;
	[tilespmem:$0x10180] =	vst v63  }
0x128: {  	p0 =	por p0, !p1  }
.Ltmp5:
0x129: {  	_ = 	snop;
	(pc) =	sbr.rel @!p0 .LBB2_2-.Ltmp5, $2  }
0x12a: {  	_ =	sdelay $0x2  }
0x12b: {  	s24 =	smov.u32 s28  }
0x12c: {  	s23 =	sadd.s32 $0x1, s23  }
0x12d: {  	_ =	swait.ge [sflag:s22], $0x4000;
	p0 =	sne.s32 s23, s11  }
.Ltmp6:
0x12e: {  	[sflag:s22] =	ssyncset.done $0x0;
	(pc) =	sbr.rel @p0 .LBB2_1-.Ltmp6, $4  }
0x12f: {  	[sflag:s22] =	ssyncadd.s32 $0xFFFFC000  }
0x130: {  	_ =	swait.ge [sflag:s20], $0x4000  }
0x131: {  	[sflag:s20] =	ssyncset.done $0x0  }
0x132: {  	[sflag:s20] =	ssyncadd.s32 $0xFFFFC000  }
0x133: {  	_ =	sfence.sel $0x180000  }
0x134: {  	[bflag:$0x0] =	sbarrier.arrive $0xFFFF  }
0x135: {  	_ =	strace $0x90000047  }
0x136: {  	s0 =	stileid.u32;
	[bflag:$0x2] =	sbarrier.arrive $0xFFFF  }
0x137: {  	p0 =	sne.s32 s0, $0x0;
	s0 =	rddreg [dreg:$0x3]  }
0x138: {  	s0 =	sadd.s32 @!p0 $0x100000, s0  }
0x139: {  	[sflag:s0] =	ssyncadd.tile.s32 @!p0 $0x1;
	_ =	shalt  }
.Lfunc_end2:
_tile_overlayer_lowered:
.L_overlay_start_2:
0x13a: {  	(tag) =	ssettag $0x2  }
0x13b: {  	s0 =	rddreg [dreg:$0x0];
	s2 =	stileid.u32  }
0x13c: {  	s1 =	rddreg [dreg:$0x1];
	p0 =	sne.s32 s2, $0x0  }
0x13d: {  	s3 =	rddreg [dreg:$0x2];
	[bflag:$0x3] =	sbarrier.arrive $0xFFFF;
	s2 =	simm.s32 @!p0 $0x1C05  }
0x13e: {  	[timem:s3], [sflag:s2] =	dma.local @!p0 [hbm:s0], s1  }
0x13f: {  	s0 =	simm.s32 @!p0 $0x5  }
0x140: {  	_ =	swait.ge @!p0 [sflag:s0], s1  }
0x141: {  	s1 =	ssub.s32 @!p0 $0x0, s1;
	[sflag:s0] =	ssyncset.done @!p0 $0x0  }
0x142: {  	[sflag:s0] =	ssyncadd.s32 @!p0 s1  }
0x143: {  	[bflag:$0x3] =	sbarrier.arrive $0xFFFF  }
0x144: {  	_ =	shalt  }

</sc_bundles>
